<compile_context>
chip_gen: v7x
topology: tpu7x:2x2x1
jax: 0.10.2.dev20260603
libtpu: 0.0.44.dev20260713+nightly
codegen_flags: <defaults>
</compile_context>

<pallas_src>
import jax
import jax.numpy as jnp
from jax.experimental import pallas as pl

B, Q, T, C = 128, 900, 256, 25
NUM_SELECT = 300
CPAD = 128


def _prob_kernel(logits_ref, pmT_ref, prob_ref, rmax_ref):
    s = jax.nn.sigmoid(logits_ref[0])
    p = jnp.dot(s, pmT_ref[...], preferred_element_type=jnp.float32)
    prob_ref[0] = p[:, :C]
    rmax_ref[0, 0] = jnp.max(p, axis=1)


def kernel(pred_logits, pred_boxes, target_sizes, positive_map):
    pmT = jnp.zeros((T, CPAD), jnp.float32).at[:, :C].set(positive_map.T)
    prob, rowmax = pl.pallas_call(
        _prob_kernel,
        grid=(B,),
        in_specs=[
            pl.BlockSpec((1, Q, T), lambda b: (b, 0, 0)),
            pl.BlockSpec((T, CPAD), lambda b: (0, 0)),
        ],
        out_specs=[
            pl.BlockSpec((1, Q, C), lambda b: (b, 0, 0)),
            pl.BlockSpec((1, 1, Q), lambda b: (b, 0, 0)),
        ],
        out_shape=[
            jax.ShapeDtypeStruct((B, Q, C), jnp.float32),
            jax.ShapeDtypeStruct((B, 1, Q), jnp.float32),
        ],
    )(pred_logits, pmT)

    _, q_cand = jax.lax.top_k(rowmax[:, 0, :], NUM_SELECT)
    q_cand = jnp.sort(q_cand, axis=1)

    G = 5
    NG = NUM_SELECT * C // G
    cand = jnp.take_along_axis(
        prob, q_cand[:, :, None], axis=1)
    cand_g = cand.reshape(B, NG, G)
    gmax = jnp.max(cand_g, axis=2)
    _, g_sel = jax.lax.top_k(gmax, NUM_SELECT)
    g_sel = jnp.sort(g_sel, axis=1)
    cand2 = jnp.take_along_axis(
        cand_g, g_sel[:, :, None], axis=1)

    scores, pos = jax.lax.top_k(cand2.reshape(B, NUM_SELECT * G), NUM_SELECT)
    cidx = jnp.take_along_axis(g_sel, pos // G, axis=1) * G + pos % G
    topk_boxes = jnp.take_along_axis(q_cand, cidx // C, axis=1)
    labels = cidx % C

    cx, cy, w, h = (pred_boxes[..., i] for i in range(4))
    boxes = jnp.stack([cx - 0.5 * w, cy - 0.5 * h, cx + 0.5 * w, cy + 0.5 * h], -1)
    idx = jnp.broadcast_to(topk_boxes[:, :, None], (B, NUM_SELECT, 4))
    boxes = jnp.take_along_axis(boxes, idx, axis=1)
    img_h = target_sizes[:, 0].astype(boxes.dtype)
    img_w = target_sizes[:, 1].astype(boxes.dtype)
    scale_fct = jnp.stack([img_w, img_h, img_w, img_h], axis=1)
    boxes = boxes * scale_fct[:, None, :]
    return scores, labels, boxes

# --- scband reference (transcript-rebuilt; emitter-appended) ---
"""Pipeline reference for scband-post-process-seginw-13408887898405 (READ-ONLY COPY).

The authoritative reference and input builder live on the scoring server;
editing this copy changes nothing except your own understanding.
"""

import jax, jax.numpy as jnp
import numpy as np

NUM_SELECT = 300
B, Q, T, C = 128, 900, 256, 25


def setup_inputs(seed: int = 0) -> dict:
    key = jax.random.key(seed)
    k1, k2, k3, k4 = jax.random.split(key, 4)
    pred_logits = jax.random.normal(k1, (B, Q, T), dtype=jnp.float32)
    pred_boxes = jax.random.uniform(k2, (B, Q, 4), dtype=jnp.float32)
    target_sizes = jax.random.randint(k3, (B, 2), 1, 1333).astype(jnp.int32)
    # positive_map buffer: maps text tokens -> category labels (row-normalized span mask)
    pm = (jax.random.uniform(k4, (C, T)) < 0.02).astype(jnp.float32)
    pm = pm.at[:, 0].set(1.0)  # guarantee nonzero rows
    pm = pm / pm.sum(axis=1, keepdims=True)
    return {
        "pred_logits": pred_logits,
        "pred_boxes": pred_boxes,
        "target_sizes": target_sizes,
        "positive_map": pm,
    }


def box_cxcywh_to_xyxy(b):
    cx = b[..., 0]
    cy = b[..., 1]
    w = b[..., 2]
    h = b[..., 3]
    return jnp.stack([cx - 0.5 * w, cy - 0.5 * h, cx + 0.5 * w, cy + 0.5 * h], axis=-1)


def reference(pred_logits, pred_boxes, target_sizes, positive_map):
    prob_to_token = jax.nn.sigmoid(pred_logits)            # [B, Q, T]
    prob = prob_to_token @ positive_map.T                  # [B, Q, C]
    b, q, c = prob.shape
    flat = prob.reshape(b, q * c)
    topk_values, topk_indexes = jax.lax.top_k(flat, NUM_SELECT)
    scores = topk_values
    topk_boxes = topk_indexes // c
    labels = topk_indexes % c
    boxes = box_cxcywh_to_xyxy(pred_boxes)                 # [B, Q, 4]
    idx = jnp.broadcast_to(topk_boxes[:, :, None], (b, NUM_SELECT, 4))
    boxes = jnp.take_along_axis(boxes, idx, axis=1)        # [B, num_select, 4]
    img_h = target_sizes[:, 0].astype(boxes.dtype)
    img_w = target_sizes[:, 1].astype(boxes.dtype)
    scale_fct = jnp.stack([img_w, img_h, img_w, img_h], axis=1)
    boxes = boxes * scale_fct[:, None, :]
    return scores, labels, boxes

if __name__ == "__main__":
    import jax
    _d = setup_inputs()
    print(jax.jit(kernel)(*tuple(_d.values())))

</pallas_src>

<mosaic_0001>
module attributes {stable_mosaic.version = 14 : i64} {
  func.func @_prob_kernel(%arg0: i32, %arg1: memref<1x900x256xf32, #tpu.memory_space<vmem>>, %arg2: memref<256x128xf32, #tpu.memory_space<vmem>>, %arg3: memref<1x900x25xf32, #tpu.memory_space<vmem>>, %arg4: memref<1x1x900xf32, #tpu.memory_space<vmem>>) attributes {dimension_semantics = [#tpu.dimension_semantics<arbitrary>], iteration_bounds = array<i64: 128>, scalar_prefetch = 0 : i64, scratch_operands = 0 : i64, tpu.core_type = #tpu.core_type<tc>, window_params = [{transform_indices = @transform_0, window_bounds = array<i64: 1, 900, 256>}, {pipeline_mode = #tpu.pipeline_mode<synchronous>, transform_indices = @transform_1, window_bounds = array<i64: 256, 128>}, {transform_indices = @transform_2, window_bounds = array<i64: 1, 900, 25>}, {transform_indices = @transform_3, window_bounds = array<i64: 1, 1, 900>}]} {
    %get3A = arith.constant 0 : index
    %get3A_0 = arith.constant 0 : index
    %get3A_1 = arith.constant 0 : index
    %get3A_2 = vector.load %arg1[%get3A, %get3A_0, %get3A_1] : memref<1x900x256xf32, #tpu.memory_space<vmem>>, vector<1x900x256xf32>
    %get3A_3 = vector.shape_cast %get3A_2 : vector<1x900x256xf32> to vector<900x256xf32>
    %logistic3A = arith.negf %get3A_3 : vector<900x256xf32>
    %logistic3A_4 = math.exp %logistic3A : vector<900x256xf32>
    %logistic3A_5 = arith.constant 1.000000e+00 : f32
    %logistic3A_6 = vector.broadcast %logistic3A_5 : f32 to vector<900x256xf32>
    %logistic3A_7 = arith.addf %logistic3A_6, %logistic3A_4 : vector<900x256xf32>
    %logistic3A_8 = arith.divf %logistic3A_6, %logistic3A_7 : vector<900x256xf32>
    %get3A_9 = arith.constant 0 : index
    %get3A_10 = arith.constant 0 : index
    %get3A_11 = vector.load %arg2[%get3A_9, %get3A_10] : memref<256x128xf32, #tpu.memory_space<vmem>>, vector<256x128xf32>
    %dot_general3A = arith.constant dense<0.000000e+00> : vector<900x128xf32>
    %dot_general3A_12 = tpu.matmul %logistic3A_8, %get3A_11, %dot_general3A {dimension_numbers = #tpu.dot_dimension_numbers<[1], [0], [0], [1], [0, 0, 1, 1], [], []>, transpose_lhs_hint = false} : vector<900x256xf32>, vector<256x128xf32>, vector<900x128xf32> -> vector<900x128xf32>
    %slice3A = vector.extract_strided_slice %dot_general3A_12 {offsets = [0, 0], sizes = [900, 25], strides = [1, 1]} : vector<900x128xf32> to vector<900x25xf32>
    %swap3A = arith.constant 0 : index
    %swap3A_13 = arith.constant 0 : index
    %swap3A_14 = arith.constant 0 : index
    %swap3A_15 = vector.load %arg3[%swap3A, %swap3A_13, %swap3A_14] : memref<1x900x25xf32, #tpu.memory_space<vmem>>, vector<1x900x25xf32>
    %swap3A_16 = vector.shape_cast %swap3A_15 : vector<1x900x25xf32> to vector<900x25xf32>
    %swap3A_17 = vector.shape_cast %slice3A : vector<900x25xf32> to vector<1x900x25xf32>
    tpu.vector_store %arg3[%swap3A, %swap3A_13, %swap3A_14], %swap3A_17 {strides = array<i32>} : memref<1x900x25xf32, #tpu.memory_space<vmem>>, vector<1x900x25xf32>,
    %reduce_max3A = arith.constant dense<0xFF800000> : vector<900xf32>
    %reduce_max3A_18 = vector.multi_reduction <maximumf>, %dot_general3A_12, %reduce_max3A [1] : vector<900x128xf32> to vector<900xf32>
    %swap3A_19 = arith.constant 0 : index
    %swap3A_20 = arith.constant 0 : index
    %swap3A_21 = arith.constant 0 : index
    %swap3A_22 = vector.load %arg4[%swap3A_19, %swap3A_20, %swap3A_21] : memref<1x1x900xf32, #tpu.memory_space<vmem>>, vector<1x1x900xf32>
    %swap3A_23 = vector.shape_cast %swap3A_22 : vector<1x1x900xf32> to vector<900xf32>
    %swap3A_24 = vector.shape_cast %reduce_max3A_18 : vector<900xf32> to vector<1x1x900xf32>
    tpu.vector_store %arg4[%swap3A_19, %swap3A_20, %swap3A_21], %swap3A_24 {strides = array<i32>} : memref<1x1x900xf32, #tpu.memory_space<vmem>>, vector<1x1x900xf32>,
    return
  }
  func.func @transform_0(%arg0: i32) -> (i32, i32, i32) {
    %c0_i32 = arith.constant 0 : i32
    %c0_i32_0 = arith.constant 0 : i32
    %c0_i32_1 = arith.constant 0 : i32
    return %arg0, %c0_i32, %c0_i32_0 : i32, i32, i32
  }
  func.func @transform_1(%arg0: i32) -> (i32, i32) {
    %c0_i32 = arith.constant 0 : i32
    %c0_i32_0 = arith.constant 0 : i32
    %c0_i32_1 = arith.constant 0 : i32
    return %c0_i32, %c0_i32_0 : i32, i32
  }
  func.func @transform_2(%arg0: i32) -> (i32, i32, i32) {
    %c0_i32 = arith.constant 0 : i32
    %c0_i32_0 = arith.constant 0 : i32
    %c0_i32_1 = arith.constant 0 : i32
    return %arg0, %c0_i32, %c0_i32_0 : i32, i32, i32
  }
  func.func @transform_3(%arg0: i32) -> (i32, i32, i32) {
    %c0_i32 = arith.constant 0 : i32
    %c0_i32_0 = arith.constant 0 : i32
    %c0_i32_1 = arith.constant 0 : i32
    return %arg0, %c0_i32, %c0_i32_0 : i32, i32, i32
  }
}

</mosaic_0001>

<sc_bundles>
// kernel: gather_offload_async_start.1
scs
__scs_entry_jumppad:
0x0: {  	(pc) =	sbr.rel $0x88, $3  }
0x1: {  	(tag) =	ssettag $0x0;
	lr =	simm.s32 $0x1  }
0x2: {  	[smem:$0x3F9D] =	sst lr;
	_ =	strace $0xD0000000  }
0x3: {  	_ = 	snop  }
0x4: {  	_ = 	snop  }
0x5: {  	_ = 	snop  }
0x6: {  	_ = 	snop  }
0x7: {  	_ = 	snop  }
__scs_overlays_trampoline_lowered:
0x8: {  	[smem:$0x3FAC] =	sst s0  }
0x9: {  	[smem:$0x3FAD] =	sst s1  }
0xa: {  	[smem:$0x3FAE] =	sst s2  }
0xb: {  	[smem:$0x3FAF] =	sst s3  }
0xc: {  	[smem:$0x3FB0] =	sst s4  }
0xd: {  	[smem:$0x3FB1] =	sst s5  }
0xe: {  	[smem:$0x3FB2] =	sst s6  }
0xf: {  	[smem:$0x3FB3] =	sst s7  }
0x10: {  	[smem:$0x3FB4] =	sst s8  }
0x11: {  	[smem:$0x3FB5] =	sst s9;
	s0 =	simm.s32 @!p0 $0x0  }
0x12: {  	s1 =	sld [smem:$0x3F9B];
	s0 =	simm.s32 @p0 $0x1  }
0x13: {  	[smem:$0x3FB6] =	sst s0;
	s0 =	simm.s32 @!p1 $0x0  }
0x14: {  	s2 =	sld [smem:$0x3F9A];
	s0 =	simm.s32 @p1 $0x1  }
0x15: {  	[smem:$0x3FB7] =	sst s0;
	s0 =	simm.s32 @!p2 $0x0  }
0x16: {  	s3 =	sld [smem:$0x3FDB];
	s0 =	simm.s32 @p2 $0x1  }
0x17: {  	s4 =	simm.s32 $0x1BF5;
	[smem:$0x3FB9] =	sst s0  }
0x18: {  	s0 =	sld [smem:$0x3F9C];
	_ =	swait.ge [sflag:s4], $0x0  }
0x19: {  	s7 =	sld [smem:$0x3F9D]  }
0x1a: {  	s8 =	sadd.s32 $0xFFFFE003, lr  }
0x1b: {  	s9 =	sadd.s32 $0xFFFFFEF7, lr;
	s5 =	simm.s32 $0xFFFFFFFF;
	p2 =	slt.u32 s8, $0xFFFFF086  }
0x1c: {  	p1 =	slt.u32 s9, $0xF7A;
	s5 =	simm.s32 @!p2 $0x0  }
0x1d: {  	s5 =	simm.s32 @p1 $0x1;
	p0 =	seq.s32 s7, s2  }
0x1e: {  	s7 =	smul.u32 @!p0 $0xF7A, s2;
	p2 =	seq.s32 @!p0 s5, $0x0  }
0x1f: {  	s9 =	smul.u32 $0xF7A, s1;
	s8 =	simm.s32 @!p0 $0x1BF5;
	p2 =	por !p2, p0  }
0x20: {  	[sflag:s8] =	ssyncset.s32 @!p0 $0xFFFFF086;
	s6 =	sadd.s32 @!p0 s3, s7;
	s7 =	simm.s32 @!p0 $0x108  }
0x21: {  	s3 =	sadd.s32 s3, s9;
	s6 =	sadd.s32 @!p0 $0x88, s6;
	s7 =	simm.s32 @p2 $0x1082  }
0x22: {  	[simem:s7], [sflag:s8] =	dma.local @!p0 [hbm:s6], $0xF7A  }
0x23: {  	s9 =	sor.u32 $0xD0000000, s2;
	s6 =	simm.s32 $0x108;
	_ =	swait.ge @!p0 [sflag:s8], $0x0  }
0x24: {  	s3 =	sadd.s32 $0x88, s3;
	s6 =	simm.s32 @!p1 $0x1082;
	[sflag:s4] =	ssyncset.s32 $0xFFFFF086  }
0x25: {  	[simem:s6], [sflag:s4] =	dma.local [hbm:s3], $0xF7A  }
0x26: {  	[smem:$0x3F9D] =	sst s1;
	(tag) =	ssettag s2;
	_ =	strace s9  }
0x27: {  	s1 =	sld [smem:$0x3FAD]  }
0x28: {  	s2 =	sld [smem:$0x3FAE]  }
0x29: {  	s4 =	sld [smem:$0x3FB0]  }
0x2a: {  	p0 =	seq.s32 s5, $0x0;
	s5 =	sld [smem:$0x3FB1]  }
0x2b: {  	s6 =	sld [smem:$0x3FB2]  }
0x2c: {  	s7 =	sld [smem:$0x3FB3]  }
0x2d: {  	s3 =	simm.s32 $0x108;
	s8 =	sld [smem:$0x3FB4]  }
0x2e: {  	s3 =	simm.s32 @!p0 $0x1082;
	s9 =	sld [smem:$0x3FB5]  }
0x2f: {  	lr =	sadd.s32 s0, s3;
	s0 =	sld [smem:$0x3FAC]  }
0x30: {  	s3 =	sld [smem:$0x3FAF]  }
0x31: {  	[smem:$0x3FB8] =	sst s10  }
0x32: {  	s10 =	sld [smem:$0x3FB6];
	_ =	sdelay $0x3  }
0x33: {  	p0 =	seq.s32 s10, $0x1;
	s10 =	sld [smem:$0x3FB8];
	_ =	sdelay $0x3  }
0x34: {  	[smem:$0x3FB8] =	sst s10  }
0x35: {  	s10 =	sld [smem:$0x3FB7];
	_ =	sdelay $0x3  }
0x36: {  	p1 =	seq.s32 s10, $0x1;
	s10 =	sld [smem:$0x3FB8];
	_ =	sdelay $0x3  }
0x37: {  	[smem:$0x3FB8] =	sst s10  }
0x38: {  	s10 =	sld [smem:$0x3FB9]  }
0x39: {  	_ = 	snop;
	(pc) =	sbr.ind lr, $3  }
0x3a: {  	_ = 	snop  }
0x3b: {  	_ = 	snop  }
0x3c: {  	p2 =	seq.s32 s10, $0x1;
	s10 =	sld [smem:$0x3FB8]  }
0x3d: {  	_ =	shalt  }
0x3e: {  	_ =	shalt  }
0x3f: {  	_ =	shalt  }
0x40: {  	_ =	shalt  }
0x41: {  	_ =	shalt  }
0x42: {  	_ =	shalt  }
0x43: {  	_ =	shalt  }
0x44: {  	_ =	shalt  }
0x45: {  	_ =	shalt  }
0x46: {  	_ =	shalt  }
0x47: {  	_ =	shalt  }
0x48: {  	_ =	shalt  }
0x49: {  	_ =	shalt  }
0x4a: {  	_ =	shalt  }
0x4b: {  	_ =	shalt  }
0x4c: {  	_ =	shalt  }
0x4d: {  	_ =	shalt  }
0x4e: {  	_ =	shalt  }
0x4f: {  	_ =	shalt  }
0x50: {  	_ =	shalt  }
0x51: {  	_ =	shalt  }
0x52: {  	_ =	shalt  }
0x53: {  	_ =	shalt  }
0x54: {  	_ =	shalt  }
0x55: {  	_ =	shalt  }
0x56: {  	_ =	shalt  }
0x57: {  	_ =	shalt  }
0x58: {  	_ =	shalt  }
0x59: {  	_ =	shalt  }
0x5a: {  	_ =	shalt  }
0x5b: {  	_ =	shalt  }
0x5c: {  	_ =	shalt  }
0x5d: {  	_ =	shalt  }
0x5e: {  	_ =	shalt  }
0x5f: {  	_ =	shalt  }
0x60: {  	_ =	shalt  }
0x61: {  	_ =	shalt  }
0x62: {  	_ =	shalt  }
0x63: {  	_ =	shalt  }
0x64: {  	_ =	shalt  }
0x65: {  	_ =	shalt  }
0x66: {  	_ =	shalt  }
0x67: {  	_ =	shalt  }
0x68: {  	_ =	shalt  }
0x69: {  	_ =	shalt  }
0x6a: {  	_ =	shalt  }
0x6b: {  	_ =	shalt  }
0x6c: {  	_ =	shalt  }
0x6d: {  	_ =	shalt  }
0x6e: {  	_ =	shalt  }
0x6f: {  	_ =	shalt  }
0x70: {  	_ =	shalt  }
0x71: {  	_ =	shalt  }
0x72: {  	_ =	shalt  }
0x73: {  	_ =	shalt  }
0x74: {  	_ =	shalt  }
0x75: {  	_ =	shalt  }
0x76: {  	_ =	shalt  }
0x77: {  	_ =	shalt  }
0x78: {  	_ =	shalt  }
0x79: {  	_ =	shalt  }
0x7a: {  	_ =	shalt  }
0x7b: {  	_ =	shalt  }
0x7c: {  	_ =	shalt  }
0x7d: {  	_ =	shalt  }
0x7e: {  	_ =	shalt  }
0x7f: {  	_ =	shalt  }
0x80: {  	_ =	shalt  }
0x81: {  	_ =	shalt  }
0x82: {  	_ =	shalt  }
0x83: {  	_ =	shalt  }
0x84: {  	_ =	shalt  }
0x85: {  	_ =	shalt  }
0x86: {  	_ =	shalt  }
0x87: {  	_ =	shalt  }
.Lfunc_end0:
.L_simem_size_0:
called_computation.1_lowered:
.L_overlay_start_0:
0x88: {  	s2 =	sld [smem:$0x3FD9]  }
0x89: {  	s3 =	sld [smem:$0x3FFE];
	_ =	sdelay $0x1  }
0x8a: {  	s1 =	srdreg.scid  }
0x8b: {  	s0 =	sand.u32 $0x1, s1  }
0x8c: {  	s14 =	sshll.u32 s0, $0xA;
	s2 =	sadd.s32 s3, s2  }
0x8d: {  	s2 =	sadd.s32 s2, s14  }
0x8e: {  	[smem:$0x3FC4] =	sst s2  }
0x8f: {  	_ = 	snop  }
0x90: {  	s2 =	sld [smem:$0x3FD0];
	_ =	sdelay $0x2  }
0x91: {  	s15 =	simm.s32 $0xA;
	s4 =	simm.s32 $0x10  }
0x92: {  	[smem:s4], [sflag:s15] =	dma.local [hbm:s2], $0x1  }
0x93: {  	_ =	swait.eq [sflag:s15], $0x1  }
0x94: {  	[sflag:s15] =	ssyncset.done $0x0  }
0x95: {  	[sflag:s15] =	ssyncadd.s32 $0xFFFFFFFF  }
0x96: {  	s16 =	sld [smem:$0x11];
	(tm) =	ssettm $0x1  }
0x97: {  	s17 =	sld [smem:$0x3FFB];
	_ =	sdelay $0x3  }
0x98: {  	_ =	strace s17  }
0x99: {  	s3 =	sld [smem:$0x3FFC];
	_ =	sdelay $0x3  }
0x9a: {  	_ =	strace s3  }
0x9b: {  	s3 =	sld [smem:$0x3FFD];
	_ =	sdelay $0x3  }
0x9c: {  	_ =	strace s3  }
0x9d: {  	_ =	strace $0x8FFFFFFF  }
0x9e: {  	s18 =	sld [smem:$0x3FDB];
	_ =	sdelay $0x1  }
0x9f: {  	s19 =	simm.s32 $_scs_section_size  }
0xa0: {  	s5 =	simm.s32 $_size__tile_overlayer_lowered;
	s6 =	simm.s32 $_tile_overlayer_lowered  }
0xa1: {  	s22 =	simm.s32 $0x1BFF;
	s21 =	sshll.u32 s6, $0x1;
	s3 =	sadd.s32 s19, s18  }
0xa2: {  	s7 =	simm.s32 $0x0;
	s20 =	sshll.u32 s5, $0x1;
	s5 =	sadd.s32 s21, s3  }
0xa3: {  	[timem:s7], [sflag:s22] =	dma.local [hbm:s5], s20  }
0xa4: {  	_ =	swait.ge [sflag:s22], s20  }
0xa5: {  	s4 =	ssub.s32 $0x0, s20;
	[sflag:s22] =	ssyncset.done $0x0  }
0xa6: {  	[sflag:s22] =	ssyncadd.s32 s4;
	_ =	sdelay $0x1  }
0xa7: {  	s23 =	simm.s32 $0x1B8B  }
0xa8: {  	_ =	swait.ge [sflag:s23], $0x1  }
0xa9: {  	[sflag:s23] =	ssyncset.done $0x0  }
0xaa: {  	s25 =	simm.s32 $0x1B8E;
	s24 =	sld [smem:$0x3FFE];
	[sflag:s23] =	ssyncadd.s32 $0xFFFFFFFF  }
0xab: {  	s26 =	simm.s32 $execute0_lowered;
	[smem:$0x3FD2] =	sst s25  }
0xac: {  	s5 =	sshll.u32 s26, $0x1;
	_ =	strace $0x80000049;
	[dreg:$0x1] =	wrdreg $0xFFFFFFFF  }
0xad: {  	s28 =	simm.s32 $_size_execute0_lowered;
	s3 =	sadd.s32 s3, s5;
	[dreg:$0x0] =	wrdreg $0x0  }
0xae: {  	s5 =	sshll.u32 s28, $0x1;
	[dreg:$0x2] =	wrdreg s3  }
0xaf: {  	[dreg:$0x3] =	wrdreg s5  }
0xb0: {  	[dreg:$0x4] =	wrdreg $0xC0  }
0xb1: {  	_ =	task [dreg:s7], $0x5FFFF  }
0xb2: {  	[dreg:$0x1] =	wrdreg $0xFFFFFFFF  }
0xb3: {  	[dreg:$0x0] =	wrdreg $0x60  }
0xb4: {  	[dreg:$0x2] =	wrdreg s24  }
0xb5: {  	[dreg:$0x3] =	wrdreg s16  }
0xb6: {  	[dreg:$0x4] =	wrdreg $0x9  }
0xb7: {  	_ =	task.clear_ibuf [dreg:s7], $0x5FFFF;
	_ =	strace $0x90000049  }
0xb8: {  	s29 =	simm.s32 $0x9;
	_ =	strace $0x8000004B  }
0xb9: {  	_ =	swait.ge [sflag:s29], $0x1  }
0xba: {  	[sflag:s29] =	ssyncadd.s32 $0xFFFFFFFF  }
0xbb: {  	_ =	strace $0x9000004B  }
0xbc: {  	_ =	sfence  }
0xbd: {  	s30 =	sld [smem:$0x0];
	_ =	sdelay $0x2  }
0xbe: {  	s31 =	sshll.u32 s1, $0xD;
	s1 =	sshrl.u32 s1, $0x2  }
0xbf: {  	s3 =	sand.u32 $0x4000, s31;
	s1 =	sadd.s32 s1, s30  }
0xc0: {  	s0 =	sor.u32 s3, s0;
	s1 =	sshll.u32 s1, $0x11  }
0xc1: {  	s0 =	sor.u32 s1, s0  }
0xc2: {  	s0 =	sadd.s32 $0x8F2B, s0  }
0xc3: {  	[sflag:s0] =	ssyncadd.remote.s32 $0x1  }
0xc4: {  	_ =	sfence.sel $0xFFFF  }
0xc5: {  	[dreg:$0x0] =	wrdreg $0xFFFFFFFF;
	(pc) =	sbr.abs _section_cstart, $3  }
0xc6: {  	[dreg:$0x1] =	wrdreg $0xFFFFFFFF  }
0xc7: {  	_ =	task.clear_ibuf [dreg:s7], $0x2FFFF;
	_ =	strace $0x9FFFFFFF  }
0xc8: {  	(tm) =	ssettm $0x7FFFFFFF  }
0xc9: {  	_ =	shalt  }
tec
execute0_lowered:
.L_overlay_start_1:
0x0: {  	(tag) =	ssettag $0x1  }
0x1: {  	s0 =	srdreg.scid  }
0x2: {  	s1 =	sshll.u32 s0, $0x4  }
0x3: {  	s0 =	stileid.u32;
	s1 =	sand.u32 $0x10, s1  }
0x4: {  	s2 =	sor.u32 s0, s1  }
0x5: {  	s1 =	smul.u32 $0x3, s2  }
0x6: {  	s3 =	smin.u32 s2, $0x4  }
0x7: {  	s1 =	sadd.s32 s3, s1  }
0x8: {  	p0 =	slt.u32 s2, $0x4;
	s2 =	simm.s32 $0x600;
	s1 =	smul.u32 $0x180, s1  }
0x9: {  	s2 =	simm.s32 @!p0 $0x480  }
0xa: {  	s2 =	sadd.s32 s2, s1  }
0xb: {  	s3 =	smin.u32 s2, $0x9600  }
0xc: {  	s7 =	ssub.s32 s3, s1  }
0xd: {  	p0 =	sgt.s32 s7, $0x0  }
0xe: {  	s7 =	simm.s32 @!p0 $0x0  }
0xf: {  	s9 =	rddreg [dreg:$0x0];
	s31 =	smul.u32 $0xAAAB, s7  }
0x10: {  	s4 =	rddreg [dreg:$0x1];
	s6 =	simm.s32 $0x1  }
0x11: {  	s11 =	simm.s32 $0x3;
	s13 =	simm.s32 $0x0;
	s8 =	sshrl.u32 s31, $0x18  }
0x12: {  	s12 =	simm.s32 $0x0;
	s5 =	sadd.s32 $0x558200, s9;
	s10 =	smul.u32 $0x180, s8  }
.Ltmp0:
0x13: {  	s9 =	sadd.s32 $0x1800, s9;
	s2 =	rddreg [dreg:$0x2];
	(pc) =	sbr.rel .LBB2_1-.Ltmp0, $4  }
0x14: {  	_ =	strace $0x8000004A;
	p0 =	sne.s32 s7, s10;
	s10 =	simm.s32 $0x1  }
0x15: {  	[sflag:s6] =	ssyncpa.u1 $0x0;
	s7 =	simm.s32 $0x2;
	s10 =	simm.s32 @!p0 $0x0  }
0x16: {  	[sflag:s7] =	ssyncpa.u1 $0x0;
	p0 =	por $0x0, $0x0;
	s8 =	sadd.s32 s8, s10  }
0x17: {  	vm0 =	vmmov $0xff;
	vm1 =	vcmask $0x3F20;
	[sflag:s11] =	ssyncpa.u1 $0x0;
	s11 =	smov.u32 s1;
	s10 =	sadd.s32 $0x1, s8  }
.LBB2_6:
0x18: {  	[hbm:s17] =	stream.linear.scatter [tilespmem:s14], [sflag:$0x3], $0x400, $0x38;
	[tilespmem:$0x18300] =	vst v63  }
.LBB2_7:
0x19: {  	s13 =	sadd.s32 $0x180, s11  }
0x1a: {  	s15 =	smov.u32 s1;
	p2 =	slt.s32 s13, s3  }
0x1b: {  	s15 =	smov.u32 @p2 s13;
	p2 =	sne.s32 s12, s10  }
.Ltmp1:
0x1c: {  	p1 =	slt.u32 s12, $0x2;
	(pc) =	sbr.rel @!p2 .LBB2_8-.Ltmp1, $4  }
0x1d: {  	s14 =	simm.s32 @!p1 $0x3  }
0x1e: {  	s16 =	sadd.s32 $0x1, s12;
	_ =	swait.ge @!p1 [sflag:s14], $0xC000  }
0x1f: {  	p0 =	por !p0, !p0;
	s13 =	smov.u32 s11;
	[sflag:s14] =	ssyncset.done @!p1 $0x0  }
0x20: {  	s12 =	smov.u32 s16;
	s11 =	smov.u32 s15;
	[sflag:s14] =	ssyncadd.s32 @!p1 $0xFFFF4000  }
.LBB2_1:
0x21: {  	p1 =	sge.u32 s12, s8  }
0x22: {  	s14 =	sxor.u32 @!p1 $0xFFFFFFFF, s12  }
0x23: {  	s14 =	sand.u32 @!p1 $0x1, s14  }
0x24: {  	s14 =	smul.u32 @!p1 $0x600, s14  }
0x25: {  	s31 =	sadd.s32 $0xFFFFFFFF, s12;
	s15 =	sshrl.u32 @!p1 s11, $0x3  }
0x26: {  	s16 =	sand.u32 @!p1 $0x7, s11;
	s15 =	sadd.s32 @!p1 s4, s15;
	s14 =	sshrl.u32 @!p1 s14, $0x2  }
0x27: {  	[tilespmem:s14], [sflag:$0x2] =	stream.linear.gather @!p1 [hbm4b:s15+s16], $0x180, $0x38;
	[tilespmem:$0x18300] =	vst v63  }
0x28: {  	p1 =	sge.u32 s31, s8  }
.Ltmp2:
0x29: {  	_ = 	snop;
	(pc) =	sbr.rel @p1 .LBB2_7-.Ltmp2, $1  }
0x2a: {  	_ =	sdelay $0x3  }
0x2b: {  	s14 =	simm.s32 $0x1  }
0x2c: {  	s14 =	simm.s32 @!p0 $0x0  }
0x2d: {  	s15 =	smul.u32 $0x600, s14  }
0x2e: {  	_ =	swait.ge [sflag:s7], $0x180  }
0x2f: {  	[sflag:s7] =	ssyncset.done $0x0;
	s16 =	sshrl.u32 s15, $0x2  }
0x30: {  	[sflag:s7] =	ssyncadd.s32 $0xFFFFFE80;
	s15 =	sadd.s32 $0x0, s16  }
0x31: {  	v0 =	vld.msk [tilespmem:s15+$0x0 ss:$0x1], $0xffff;
	_ =	sdelay $0x4  }
0x32: {  	v1 =	vshll.u32 v0, $0x7  }
0x33: {  	vm2 =	veq.s32 v0, $0x80000000;
	v0 =	vand.u32 $0x3F80, v1  }
0x34: {  	v1 =	vand.u32 $0x1FFC000, v1;
	v0 =	vsel vm2, $0xFFFFFF80, v0  }
0x35: {  	v1 =	vsel vm2, $0xFFFFC000, v1;
	v2 =	vand.u32 $0xFFFFFC00, v0  }
0x36: {  	v0 =	vand.u32 $0x380, v0;
	v1 =	vadd.s32 v1, v2  }
0x37: {  	v0 =	vor.u32 v0, v1  }
0x38: {  	v0 =	vshrl.u32 v0, $0x3  }
0x39: {  	s14 =	smul.u32 $0x30000, s14;
	_ =	sdelay $0x1  }
0x3a: {  	s14 =	sshrl.u32 s14, $0x2  }
0x3b: {  	s14 =	sor.u32 $0x300, s14  }
0x3c: {  	[tilespmem:s14], [sflag:$0x1] =	stream.indirect_vreg.gather [hbm:s5], $0x80, v0, vm0, $0x38;
	[tilespmem:$0x18300] =	vst v63  }
0x3d: {  	s17 =	sadd.s32 $0x10, s16;
	s15 =	sadd.s32 $0x400, s14  }
0x3e: {  	[tilespmem:s15], [sflag:$0x1] =	stream.indirect_vreg.gather [hbm:s5], $0x80, v0, vm1, $0x38;
	[tilespmem:$0x18300] =	vst v63  }
0x3f: {  	s18 =	simm.s32 $0x80;
	v0 =	vld.msk [tilespmem:s17+$0x0 ss:$0x1], $0xffff;
	s17 =	smov.u32 s14  }
.LBB2_3:
0x40: {  	p1 =	sne.s32 s18, $0x5C0;
	_ =	sdelay $0x4  }
0x41: {  	v1 =	vshll.u32 v0, $0x7  }
0x42: {  	vm2 =	veq.s32 v0, $0x80000000;
	v0 =	vand.u32 $0x3F80, v1  }
0x43: {  	v1 =	vand.u32 $0x1FFC000, v1;
	v0 =	vsel vm2, $0xFFFFFF80, v0  }
0x44: {  	v1 =	vsel vm2, $0xFFFFC000, v1;
	v2 =	vand.u32 $0xFFFFFC00, v0  }
0x45: {  	v0 =	vand.u32 $0x380, v0;
	v1 =	vadd.s32 v1, v2  }
0x46: {  	v0 =	vor.u32 v0, v1  }
0x47: {  	v0 =	vshrl.u32 v0, $0x3;
	_ =	sdelay $0x3  }
.Ltmp3:
0x48: {  	s19 =	sshra.s32 s18, $0x2;
	s17 =	sadd.s32 $0x800, s17;
	(pc) =	sbr.rel @p1 .LBB2_3-.Ltmp3, $4  }
0x49: {  	[tilespmem:s17], [sflag:$0x1] =	stream.indirect_vreg.gather [hbm:s5], $0x80, v0, vm0, $0x38;
	[tilespmem:$0x18300] =	vst v63  }
0x4a: {  	s19 =	sadd.s32 s19, s16;
	s20 =	sadd.s32 $0x400, s17  }
0x4b: {  	[tilespmem:s20], [sflag:$0x1] =	stream.indirect_vreg.gather [hbm:s5], $0x80, v0, vm1, $0x38;
	[tilespmem:$0x18300] =	vst v63  }
0x4c: {  	s18 =	sadd.s32 $0x40, s18;
	v0 =	vld.msk [tilespmem:s19+$0x0 ss:$0x1], $0xffff  }
0x4d: {  	_ =	sdelay $0x3  }
0x4e: {  	v1 =	vshll.u32 v0, $0x7  }
0x4f: {  	vm2 =	veq.s32 v0, $0x80000000;
	v63 =	vand.u32 $0x3F80, v1  }
0x50: {  	v1 =	vand.u32 $0x1FFC000, v1;
	v0 =	vsel vm2, $0xFFFFFF80, v63  }
0x51: {  	v1 =	vsel vm2, $0xFFFFC000, v1;
	v2 =	vand.u32 $0xFFFFFC00, v0  }
0x52: {  	v0 =	vand.u32 $0x380, v0;
	v1 =	vadd.s32 v1, v2  }
0x53: {  	v0 =	vor.u32 v0, v1  }
0x54: {  	v0 =	vshrl.u32 v0, $0x3;
	_ =	sdelay $0x3  }
0x55: {  	s16 =	sadd.s32 $0x800, s17  }
0x56: {  	[tilespmem:s16], [sflag:$0x1] =	stream.indirect_vreg.gather [hbm:s5], $0x80, v0, vm0, $0x38;
	[tilespmem:$0x18300] =	vst v63  }
0x57: {  	s16 =	sadd.s32 $0x400, s16  }
0x58: {  	[tilespmem:s16], [sflag:$0x1] =	stream.indirect_vreg.gather [hbm:s5], $0x80, v0, vm1, $0x38;
	[tilespmem:$0x18300] =	vst v63  }
0x59: {  	s13 =	sshll.u32 s13, $0x4;
	_ =	swait.ge [sflag:s6], $0xC000  }
0x5a: {  	s13 =	sadd.s32 s13, s9;
	[sflag:s6] =	ssyncset.done $0x0  }
0x5b: {  	s17 =	sadd.s32 $0x0, s13;
	s16 =	simm.s32 $0x80;
	[sflag:s6] =	ssyncadd.s32 $0xFFFF4000  }
.LBB2_5:
0x5c: {  	[hbm:s17] =	stream.linear.scatter [tilespmem:s14], [sflag:$0x3], $0x400, $0x38;
	[tilespmem:$0x18300] =	vst v63  }
0x5d: {  	s17 =	smov.u32 s16;
	s14 =	smov.u32 s15;
	p1 =	sne.s32 s16, $0x1780  }
.Ltmp4:
0x5e: {  	s16 =	sadd.s32 $0x80, s16;
	(pc) =	sbr.rel @p1 .LBB2_5-.Ltmp4, $2  }
0x5f: {  	_ =	sdelay $0x2  }
0x60: {  	s15 =	sadd.s32 $0x400, s15;
	s17 =	sadd.s32 s17, s13  }
.Ltmp5:
0x61: {  	_ = 	snop;
	(pc) =	sbr.rel .LBB2_6-.Ltmp5, $1  }
0x62: {  	_ =	sdelay $0x3  }
.LBB2_8:
0x63: {  	_ =	sfence.sel $0x180000  }
0x64: {  	s1 =	simm.s32 $0x2;
	[bflag:$0x0] =	sbarrier.arrive $0xFFFF  }
0x65: {  	s30 =	simm.s32 $0x3;
	[sflag:s1] =	ssyncpa.u1 $0x1  }
0x66: {  	s31 =	simm.s32 $0x1;
	[sflag:s30] =	ssyncpa.u1 $0x1  }
0x67: {  	[sflag:s31] =	ssyncpa.u1 $0x1  }
0x68: {  	p0 =	sne.s32 s0, $0x0;
	_ =	strace $0x9000004A  }
0x69: {  	s0 =	sadd.s32 @!p0 $0x100000, s2;
	[bflag:$0x2] =	sbarrier.arrive $0xFFFF  }
0x6a: {  	[sflag:s0] =	ssyncadd.tile.s32 @!p0 $0x1;
	_ =	shalt  }
.Lfunc_end2:
_tile_overlayer_lowered:
.L_overlay_start_2:
0x6b: {  	(tag) =	ssettag $0x2  }
0x6c: {  	s0 =	rddreg [dreg:$0x0];
	s2 =	stileid.u32  }
0x6d: {  	s1 =	rddreg [dreg:$0x1];
	p0 =	sne.s32 s2, $0x0  }
0x6e: {  	s3 =	rddreg [dreg:$0x2];
	[bflag:$0x3] =	sbarrier.arrive $0xFFFF;
	s2 =	simm.s32 @!p0 $0x1C01  }
0x6f: {  	[timem:s3], [sflag:s2] =	dma.local @!p0 [hbm:s0], s1  }
0x70: {  	s0 =	simm.s32 @!p0 $0x1  }
0x71: {  	_ =	swait.ge @!p0 [sflag:s0], s1  }
0x72: {  	s1 =	ssub.s32 @!p0 $0x0, s1;
	[sflag:s0] =	ssyncset.done @!p0 $0x0  }
0x73: {  	[sflag:s0] =	ssyncadd.s32 @!p0 s1  }
0x74: {  	[bflag:$0x3] =	sbarrier.arrive $0xFFFF  }
0x75: {  	_ =	shalt  }

// kernel: gather_offload_async_start.2
scs
__scs_entry_jumppad:
0x0: {  	(pc) =	sbr.rel $0x88, $3  }
0x1: {  	(tag) =	ssettag $0x0;
	lr =	simm.s32 $0x1  }
0x2: {  	[smem:$0x3F9D] =	sst lr;
	_ =	strace $0xD0000000  }
0x3: {  	_ = 	snop  }
0x4: {  	_ = 	snop  }
0x5: {  	_ = 	snop  }
0x6: {  	_ = 	snop  }
0x7: {  	_ = 	snop  }
__scs_overlays_trampoline_lowered:
0x8: {  	[smem:$0x3FAC] =	sst s0  }
0x9: {  	[smem:$0x3FAD] =	sst s1  }
0xa: {  	[smem:$0x3FAE] =	sst s2  }
0xb: {  	[smem:$0x3FAF] =	sst s3  }
0xc: {  	[smem:$0x3FB0] =	sst s4  }
0xd: {  	[smem:$0x3FB1] =	sst s5  }
0xe: {  	[smem:$0x3FB2] =	sst s6  }
0xf: {  	[smem:$0x3FB3] =	sst s7  }
0x10: {  	[smem:$0x3FB4] =	sst s8  }
0x11: {  	[smem:$0x3FB5] =	sst s9;
	s0 =	simm.s32 @!p0 $0x0  }
0x12: {  	s1 =	sld [smem:$0x3F9B];
	s0 =	simm.s32 @p0 $0x1  }
0x13: {  	[smem:$0x3FB6] =	sst s0;
	s0 =	simm.s32 @!p1 $0x0  }
0x14: {  	s2 =	sld [smem:$0x3F9A];
	s0 =	simm.s32 @p1 $0x1  }
0x15: {  	[smem:$0x3FB7] =	sst s0;
	s0 =	simm.s32 @!p2 $0x0  }
0x16: {  	s3 =	sld [smem:$0x3FDB];
	s0 =	simm.s32 @p2 $0x1  }
0x17: {  	s4 =	simm.s32 $0x1BF5;
	[smem:$0x3FB9] =	sst s0  }
0x18: {  	s0 =	sld [smem:$0x3F9C];
	_ =	swait.ge [sflag:s4], $0x0  }
0x19: {  	s7 =	sld [smem:$0x3F9D]  }
0x1a: {  	s8 =	sadd.s32 $0xFFFFE003, lr  }
0x1b: {  	s9 =	sadd.s32 $0xFFFFFEF7, lr;
	s5 =	simm.s32 $0xFFFFFFFF;
	p2 =	slt.u32 s8, $0xFFFFF086  }
0x1c: {  	p1 =	slt.u32 s9, $0xF7A;
	s5 =	simm.s32 @!p2 $0x0  }
0x1d: {  	s5 =	simm.s32 @p1 $0x1;
	p0 =	seq.s32 s7, s2  }
0x1e: {  	s7 =	smul.u32 @!p0 $0xF7A, s2;
	p2 =	seq.s32 @!p0 s5, $0x0  }
0x1f: {  	s9 =	smul.u32 $0xF7A, s1;
	s8 =	simm.s32 @!p0 $0x1BF5;
	p2 =	por !p2, p0  }
0x20: {  	[sflag:s8] =	ssyncset.s32 @!p0 $0xFFFFF086;
	s6 =	sadd.s32 @!p0 s3, s7;
	s7 =	simm.s32 @!p0 $0x108  }
0x21: {  	s3 =	sadd.s32 s3, s9;
	s6 =	sadd.s32 @!p0 $0x88, s6;
	s7 =	simm.s32 @p2 $0x1082  }
0x22: {  	[simem:s7], [sflag:s8] =	dma.local @!p0 [hbm:s6], $0xF7A  }
0x23: {  	s9 =	sor.u32 $0xD0000000, s2;
	s6 =	simm.s32 $0x108;
	_ =	swait.ge @!p0 [sflag:s8], $0x0  }
0x24: {  	s3 =	sadd.s32 $0x88, s3;
	s6 =	simm.s32 @!p1 $0x1082;
	[sflag:s4] =	ssyncset.s32 $0xFFFFF086  }
0x25: {  	[simem:s6], [sflag:s4] =	dma.local [hbm:s3], $0xF7A  }
0x26: {  	[smem:$0x3F9D] =	sst s1;
	(tag) =	ssettag s2;
	_ =	strace s9  }
0x27: {  	s1 =	sld [smem:$0x3FAD]  }
0x28: {  	s2 =	sld [smem:$0x3FAE]  }
0x29: {  	s4 =	sld [smem:$0x3FB0]  }
0x2a: {  	p0 =	seq.s32 s5, $0x0;
	s5 =	sld [smem:$0x3FB1]  }
0x2b: {  	s6 =	sld [smem:$0x3FB2]  }
0x2c: {  	s7 =	sld [smem:$0x3FB3]  }
0x2d: {  	s3 =	simm.s32 $0x108;
	s8 =	sld [smem:$0x3FB4]  }
0x2e: {  	s3 =	simm.s32 @!p0 $0x1082;
	s9 =	sld [smem:$0x3FB5]  }
0x2f: {  	lr =	sadd.s32 s0, s3;
	s0 =	sld [smem:$0x3FAC]  }
0x30: {  	s3 =	sld [smem:$0x3FAF]  }
0x31: {  	[smem:$0x3FB8] =	sst s10  }
0x32: {  	s10 =	sld [smem:$0x3FB6];
	_ =	sdelay $0x3  }
0x33: {  	p0 =	seq.s32 s10, $0x1;
	s10 =	sld [smem:$0x3FB8];
	_ =	sdelay $0x3  }
0x34: {  	[smem:$0x3FB8] =	sst s10  }
0x35: {  	s10 =	sld [smem:$0x3FB7];
	_ =	sdelay $0x3  }
0x36: {  	p1 =	seq.s32 s10, $0x1;
	s10 =	sld [smem:$0x3FB8];
	_ =	sdelay $0x3  }
0x37: {  	[smem:$0x3FB8] =	sst s10  }
0x38: {  	s10 =	sld [smem:$0x3FB9]  }
0x39: {  	_ = 	snop;
	(pc) =	sbr.ind lr, $3  }
0x3a: {  	_ = 	snop  }
0x3b: {  	_ = 	snop  }
0x3c: {  	p2 =	seq.s32 s10, $0x1;
	s10 =	sld [smem:$0x3FB8]  }
0x3d: {  	_ =	shalt  }
0x3e: {  	_ =	shalt  }
0x3f: {  	_ =	shalt  }
0x40: {  	_ =	shalt  }
0x41: {  	_ =	shalt  }
0x42: {  	_ =	shalt  }
0x43: {  	_ =	shalt  }
0x44: {  	_ =	shalt  }
0x45: {  	_ =	shalt  }
0x46: {  	_ =	shalt  }
0x47: {  	_ =	shalt  }
0x48: {  	_ =	shalt  }
0x49: {  	_ =	shalt  }
0x4a: {  	_ =	shalt  }
0x4b: {  	_ =	shalt  }
0x4c: {  	_ =	shalt  }
0x4d: {  	_ =	shalt  }
0x4e: {  	_ =	shalt  }
0x4f: {  	_ =	shalt  }
0x50: {  	_ =	shalt  }
0x51: {  	_ =	shalt  }
0x52: {  	_ =	shalt  }
0x53: {  	_ =	shalt  }
0x54: {  	_ =	shalt  }
0x55: {  	_ =	shalt  }
0x56: {  	_ =	shalt  }
0x57: {  	_ =	shalt  }
0x58: {  	_ =	shalt  }
0x59: {  	_ =	shalt  }
0x5a: {  	_ =	shalt  }
0x5b: {  	_ =	shalt  }
0x5c: {  	_ =	shalt  }
0x5d: {  	_ =	shalt  }
0x5e: {  	_ =	shalt  }
0x5f: {  	_ =	shalt  }
0x60: {  	_ =	shalt  }
0x61: {  	_ =	shalt  }
0x62: {  	_ =	shalt  }
0x63: {  	_ =	shalt  }
0x64: {  	_ =	shalt  }
0x65: {  	_ =	shalt  }
0x66: {  	_ =	shalt  }
0x67: {  	_ =	shalt  }
0x68: {  	_ =	shalt  }
0x69: {  	_ =	shalt  }
0x6a: {  	_ =	shalt  }
0x6b: {  	_ =	shalt  }
0x6c: {  	_ =	shalt  }
0x6d: {  	_ =	shalt  }
0x6e: {  	_ =	shalt  }
0x6f: {  	_ =	shalt  }
0x70: {  	_ =	shalt  }
0x71: {  	_ =	shalt  }
0x72: {  	_ =	shalt  }
0x73: {  	_ =	shalt  }
0x74: {  	_ =	shalt  }
0x75: {  	_ =	shalt  }
0x76: {  	_ =	shalt  }
0x77: {  	_ =	shalt  }
0x78: {  	_ =	shalt  }
0x79: {  	_ =	shalt  }
0x7a: {  	_ =	shalt  }
0x7b: {  	_ =	shalt  }
0x7c: {  	_ =	shalt  }
0x7d: {  	_ =	shalt  }
0x7e: {  	_ =	shalt  }
0x7f: {  	_ =	shalt  }
0x80: {  	_ =	shalt  }
0x81: {  	_ =	shalt  }
0x82: {  	_ =	shalt  }
0x83: {  	_ =	shalt  }
0x84: {  	_ =	shalt  }
0x85: {  	_ =	shalt  }
0x86: {  	_ =	shalt  }
0x87: {  	_ =	shalt  }
.Lfunc_end0:
.L_simem_size_0:
called_computation.2_lowered:
.L_overlay_start_0:
0x88: {  	s2 =	sld [smem:$0x3FD9]  }
0x89: {  	s3 =	sld [smem:$0x3FFE];
	_ =	sdelay $0x1  }
0x8a: {  	s1 =	srdreg.scid  }
0x8b: {  	s0 =	sand.u32 $0x1, s1  }
0x8c: {  	s14 =	sshll.u32 s0, $0xA;
	s2 =	sadd.s32 s3, s2  }
0x8d: {  	s2 =	sadd.s32 s2, s14  }
0x8e: {  	[smem:$0x3FC4] =	sst s2  }
0x8f: {  	_ = 	snop  }
0x90: {  	s2 =	sld [smem:$0x3FD0];
	_ =	sdelay $0x2  }
0x91: {  	s15 =	simm.s32 $0xA;
	s4 =	simm.s32 $0x10  }
0x92: {  	[smem:s4], [sflag:s15] =	dma.local [hbm:s2], $0x1  }
0x93: {  	_ =	swait.eq [sflag:s15], $0x1  }
0x94: {  	[sflag:s15] =	ssyncset.done $0x0  }
0x95: {  	[sflag:s15] =	ssyncadd.s32 $0xFFFFFFFF  }
0x96: {  	s16 =	sld [smem:$0x12];
	(tm) =	ssettm $0x1  }
0x97: {  	s17 =	sld [smem:$0x3FFB];
	_ =	sdelay $0x3  }
0x98: {  	_ =	strace s17  }
0x99: {  	s3 =	sld [smem:$0x3FFC];
	_ =	sdelay $0x3  }
0x9a: {  	_ =	strace s3  }
0x9b: {  	s3 =	sld [smem:$0x3FFD];
	_ =	sdelay $0x3  }
0x9c: {  	_ =	strace s3  }
0x9d: {  	_ =	strace $0x8FFFFFFF  }
0x9e: {  	s18 =	sld [smem:$0x3FDB];
	_ =	sdelay $0x1  }
0x9f: {  	s19 =	simm.s32 $_scs_section_size  }
0xa0: {  	s5 =	simm.s32 $_size__tile_overlayer_lowered;
	s6 =	simm.s32 $_tile_overlayer_lowered  }
0xa1: {  	s22 =	simm.s32 $0x1BFF;
	s21 =	sshll.u32 s6, $0x1;
	s3 =	sadd.s32 s19, s18  }
0xa2: {  	s7 =	simm.s32 $0x0;
	s20 =	sshll.u32 s5, $0x1;
	s5 =	sadd.s32 s21, s3  }
0xa3: {  	[timem:s7], [sflag:s22] =	dma.local [hbm:s5], s20  }
0xa4: {  	_ =	swait.ge [sflag:s22], s20  }
0xa5: {  	s4 =	ssub.s32 $0x0, s20;
	[sflag:s22] =	ssyncset.done $0x0  }
0xa6: {  	[sflag:s22] =	ssyncadd.s32 s4;
	_ =	sdelay $0x1  }
0xa7: {  	s23 =	simm.s32 $0x1B8B  }
0xa8: {  	_ =	swait.ge [sflag:s23], $0x1  }
0xa9: {  	[sflag:s23] =	ssyncset.done $0x0  }
0xaa: {  	s25 =	simm.s32 $0x1B8E;
	s24 =	sld [smem:$0x3FFE];
	[sflag:s23] =	ssyncadd.s32 $0xFFFFFFFF  }
0xab: {  	s26 =	simm.s32 $execute0_lowered;
	[smem:$0x3FD2] =	sst s25  }
0xac: {  	s5 =	sshll.u32 s26, $0x1;
	_ =	strace $0x80000052;
	[dreg:$0x1] =	wrdreg $0xFFFFFFFF  }
0xad: {  	s28 =	simm.s32 $_size_execute0_lowered;
	s3 =	sadd.s32 s3, s5;
	[dreg:$0x0] =	wrdreg $0x0  }
0xae: {  	s5 =	sshll.u32 s28, $0x1;
	[dreg:$0x2] =	wrdreg s3  }
0xaf: {  	[dreg:$0x3] =	wrdreg s5  }
0xb0: {  	[dreg:$0x4] =	wrdreg $0xC0  }
0xb1: {  	_ =	task [dreg:s7], $0x5FFFF  }
0xb2: {  	[dreg:$0x1] =	wrdreg $0xFFFFFFFF  }
0xb3: {  	[dreg:$0x0] =	wrdreg $0x60  }
0xb4: {  	[dreg:$0x2] =	wrdreg s24  }
0xb5: {  	[dreg:$0x3] =	wrdreg s16  }
0xb6: {  	[dreg:$0x4] =	wrdreg $0x9  }
0xb7: {  	_ =	task.clear_ibuf [dreg:s7], $0x5FFFF;
	_ =	strace $0x90000052  }
0xb8: {  	s29 =	simm.s32 $0x9;
	_ =	strace $0x80000054  }
0xb9: {  	_ =	swait.ge [sflag:s29], $0x1  }
0xba: {  	[sflag:s29] =	ssyncadd.s32 $0xFFFFFFFF  }
0xbb: {  	_ =	strace $0x90000054  }
0xbc: {  	_ =	sfence  }
0xbd: {  	s30 =	sld [smem:$0x0];
	_ =	sdelay $0x2  }
0xbe: {  	s31 =	sshll.u32 s1, $0xD;
	s1 =	sshrl.u32 s1, $0x2  }
0xbf: {  	s3 =	sand.u32 $0x4000, s31;
	s1 =	sadd.s32 s1, s30  }
0xc0: {  	s0 =	sor.u32 s3, s0;
	s1 =	sshll.u32 s1, $0x11  }
0xc1: {  	s0 =	sor.u32 s1, s0  }
0xc2: {  	s0 =	sadd.s32 $0x8F2B, s0  }
0xc3: {  	[sflag:s0] =	ssyncadd.remote.s32 $0x1  }
0xc4: {  	_ =	sfence.sel $0xFFFF  }
0xc5: {  	[dreg:$0x0] =	wrdreg $0xFFFFFFFF;
	(pc) =	sbr.abs _section_cstart, $3  }
0xc6: {  	[dreg:$0x1] =	wrdreg $0xFFFFFFFF  }
0xc7: {  	_ =	task.clear_ibuf [dreg:s7], $0x2FFFF;
	_ =	strace $0x9FFFFFFF  }
0xc8: {  	(tm) =	ssettm $0x7FFFFFFF  }
0xc9: {  	_ =	shalt  }
tec
execute0_lowered:
.L_overlay_start_1:
0x0: {  	(tag) =	ssettag $0x1  }
0x1: {  	s8 =	rddreg [dreg:$0x0]  }
0x2: {  	s2 =	rddreg [dreg:$0x1]  }
0x3: {  	s0 =	rddreg [dreg:$0x2];
	s1 =	stileid.u32  }
0x4: {  	s3 =	srdreg.scid;
	_ =	strace $0x80000053;
	s4 =	simm.s32 $0x1  }
0x5: {  	s7 =	simm.s32 $0x1;
	s9 =	simm.s32 $0x1;
	s10 =	simm.s32 $0x3  }
0x6: {  	s13 =	simm.s32 $0x0;
	s5 =	sand.u32 $0x1, s3;
	s6 =	sshll.u32 s1, $0x1  }
0x7: {  	s12 =	simm.s32 $0x0;
	s3 =	sadd.s32 $0x25A000, s8;
	s5 =	sor.u32 s6, s5  }
.Ltmp0:
0x8: {  	[sflag:s4] =	ssyncpa.u1 $0x0;
	p0 =	slt.u32 s5, $0x9;
	(pc) =	sbr.rel .LBB2_1-.Ltmp0, $4  }
0x9: {  	s6 =	simm.s32 $0x2;
	s7 =	simm.s32 @!p0 $0x0;
	p0 =	sne.s32 s5, $0x8  }
0xa: {  	[sflag:s6] =	ssyncpa.u1 $0x0;
	s5 =	smul.u32 $0xF00, s5;
	s9 =	simm.s32 @!p0 $0x0  }
0xb: {  	s8 =	sadd.s32 $0x1C7600, s8;
	[sflag:s10] =	ssyncpa.u1 $0x0;
	s7 =	sadd.s32 s9, s7  }
0xc: {  	vm0 =	vmmov $0xffff;
	s10 =	simm.s32 $0x0;
	s11 =	smov.u32 s5;
	s9 =	sadd.s32 $0x1, s7  }
.LBB2_4:
0xd: {  	v3 =	vand.u32 $0x180, v3;
	v2 =	vadd.s32 v2, v4  }
0xe: {  	vm1 =	veq.s32 v1, $0x80000000;
	v59 =	vand.u32 $0x7F, v1;
	v61 =	vshrl.u32 v1, $0x7  }
0xf: {  	v62 =	vand.u32 $0x7FE00, v1;
	v2 =	vor.u32 v3, v2;
	v60 =	vsel vm1, $0xFFFFFFFF, v59  }
0x10: {  	v4 =	vand.u32 $0x3, v61;
	v1 =	vsel vm1, $0xFFFFFE00, v62;
	v5 =	vand.u32 $0xFFFFFE00, v60  }
0x11: {  	v4 =	vsel vm1, $0xFFFFFFFF, v4;
	v3 =	vand.u32 $0x7F, v60;
	v1 =	vadd.s32 v1, v5  }
0x12: {  	v63 =	vand.u32 $0xFFFFFE00, v4;
	v4 =	vshll.u32 v4, $0x7;
	v1 =	vor.u32 v3, v1  }
0x13: {  	v4 =	vand.u32 $0x180, v4;
	v1 =	vadd.s32 v63, v1  }
0x14: {  	v1 =	vor.u32 v4, v1  }
0x15: {  	[tilespmem:s16], [sflag:$0x1] =	stream.indirect_vreg.gather [hbm4b:s3+s10], $0x1, v0, vm0, $0x4038;
	[tilespmem:$0x3C00] =	vst v63  }
0x16: {  	(ifvalue) =	ssetifvalue $0x7FFFFFFF  }
0x17: {  	[tilespmem:s15], [sflag:$0x1] =	stream.indirect_vreg.gather [hbm4b:s3+s10], $0x1, v2, vm0, $0x4038;
	[tilespmem:$0x3C00] =	vst v63  }
0x18: {  	s29 =	sadd.s32 $0x10, s15;
	(ifvalue) =	ssetifvalue $0x7FFFFFFF  }
0x19: {  	[tilespmem:s29], [sflag:$0x1] =	stream.indirect_vreg.gather [hbm4b:s3+s10], $0x1, v1, vm0, $0x4038;
	[tilespmem:$0x3C00] =	vst v63  }
0x1a: {  	_ =	swait.ge [sflag:s4], $0xF00  }
0x1b: {  	s30 =	sshrl.u32 s13, $0x3;
	[sflag:s4] =	ssyncset.done $0x0  }
0x1c: {  	s31 =	sand.u32 $0x7, s13;
	s15 =	sadd.s32 s8, s30;
	[sflag:s4] =	ssyncadd.s32 $0xFFFFF100  }
0x1d: {  	[hbm4b:s15+s31] =	stream.linear.scatter [tilespmem:s14], [sflag:$0x3], $0xF00, $0x38;
	[tilespmem:$0x3C00] =	vst v63  }
.LBB2_5:
0x1e: {  	s15 =	sadd.s32 $0x1E000, s11  }
0x1f: {  	p1 =	sgt.s32 s15, $0x257FF  }
0x20: {  	s15 =	smov.u32 @p1 s5;
	p1 =	sne.s32 s12, s9  }
.Ltmp1:
0x21: {  	p0 =	slt.u32 s12, $0x2;
	(pc) =	sbr.rel @!p1 .LBB2_6-.Ltmp1, $4  }
0x22: {  	s14 =	simm.s32 @!p0 $0x3  }
0x23: {  	_ =	swait.ge @!p0 [sflag:s14], $0xF00  }
0x24: {  	s16 =	sadd.s32 $0x1, s12;
	s13 =	smov.u32 s11;
	[sflag:s14] =	ssyncset.done @!p0 $0x0  }
0x25: {  	s12 =	smov.u32 s16;
	s11 =	smov.u32 s15;
	[sflag:s14] =	ssyncadd.s32 @!p0 $0xFFFFF100  }
.LBB2_1:
0x26: {  	p0 =	sge.u32 s12, s7  }
0x27: {  	s14 =	sxor.u32 @!p0 $0x1, s12  }
0x28: {  	s14 =	smul.u32 @!p0 $0x3C00, s14  }
0x29: {  	s31 =	sadd.s32 $0xFFFFFFFF, s12;
	s15 =	sshrl.u32 @!p0 s11, $0x3  }
0x2a: {  	s16 =	sand.u32 @!p0 $0x7, s11;
	s15 =	sadd.s32 @!p0 s2, s15;
	s14 =	sshra.s32 @!p0 s14, $0x2  }
0x2b: {  	[tilespmem:s14], [sflag:$0x2] =	stream.linear.gather @!p0 [hbm4b:s15+s16], $0xF00, $0x38;
	[tilespmem:$0x3C00] =	vst v63  }
0x2c: {  	p0 =	sge.u32 s31, s7  }
.Ltmp2:
0x2d: {  	_ = 	snop;
	(pc) =	sbr.rel @p0 .LBB2_5-.Ltmp2, $1  }
0x2e: {  	_ =	sdelay $0x3  }
0x2f: {  	s14 =	sand.u32 $0x1, s12  }
0x30: {  	_ =	swait.ge [sflag:s6], $0xF00;
	p0 =	seq.s32 s14, $0x1;
	s14 =	simm.s32 $0xF00  }
0x31: {  	[sflag:s6] =	ssyncset.done $0x0;
	s14 =	simm.s32 @!p0 $0x0  }
0x32: {  	[sflag:s6] =	ssyncadd.s32 $0xFFFFF100;
	(ifvalue) =	ssetifvalue $0x7FFFFFFF;
	v0 =	vld.msk [tilespmem:s14+$0x0 ss:$0x1], $0xffff;
	_ =	sdelay $0x4  }
0x33: {  	s15 =	sadd.s32 $0x10, s14;
	vm1 =	veq.s32 v0, $0x80000000;
	v1 =	vand.u32 $0x7F, v0  }
0x34: {  	v2 =	vld.msk [tilespmem:s15+$0x0 ss:$0x1], $0xffff;
	v3 =	vshrl.u32 v0, $0x7;
	v0 =	vand.u32 $0x7FE00, v0;
	v1 =	vsel vm1, $0xFFFFFFFF, v1  }
0x35: {  	v3 =	vand.u32 $0x3, v3;
	v0 =	vsel vm1, $0xFFFFFE00, v0;
	v4 =	vand.u32 $0xFFFFFE00, v1  }
0x36: {  	v3 =	vsel vm1, $0xFFFFFFFF, v3;
	v1 =	vand.u32 $0x7F, v1;
	v0 =	vadd.s32 v0, v4  }
0x37: {  	v4 =	vand.u32 $0xFFFFFE00, v3;
	v3 =	vshll.u32 v3, $0x7;
	v0 =	vor.u32 v1, v0  }
0x38: {  	v1 =	vand.u32 $0x180, v3;
	v0 =	vadd.s32 v4, v0  }
0x39: {  	vm1 =	veq.s32 v2, $0x80000000;
	v3 =	vand.u32 $0x7F, v2;
	v0 =	vor.u32 v1, v0  }
0x3a: {  	v3 =	vsel vm1, $0xFFFFFFFF, v3;
	v1 =	vshrl.u32 v2, $0x7;
	v2 =	vand.u32 $0x7FE00, v2  }
0x3b: {  	s14 =	sadd.s32 $0x1E00, s14;
	s15 =	sadd.s32 $0x10, s15;
	v5 =	vand.u32 $0xFFFFFE00, v3;
	v4 =	vand.u32 $0x3, v1;
	v2 =	vsel vm1, $0xFFFFFE00, v2  }
0x3c: {  	s17 =	simm.s32 $0x20;
	s16 =	smov.u32 s14;
	v6 =	vand.u32 $0x7F, v3;
	v1 =	vld.msk [tilespmem:s15+$0x0 ss:$0x1], $0xffff;
	v4 =	vsel vm1, $0xFFFFFFFF, v4;
	v5 =	vadd.s32 v2, v5  }
0x3d: {  	s18 =	sadd.s32 $0x10, s15;
	(ifvalue) =	ssetifvalue $0x7FFFFFFF;
	s15 =	sadd.s32 $0x10, s14;
	v2 =	vand.u32 $0xFFFFFE00, v4;
	v3 =	vshll.u32 v4, $0x7;
	v4 =	vor.u32 v6, v5  }
.LBB2_3:
0x3e: {  	[tilespmem:s16], [sflag:$0x1] =	stream.indirect_vreg.gather [hbm4b:s3+s10], $0x1, v0, vm0, $0x4038;
	[tilespmem:$0x3C00] =	vst v63  }
0x3f: {  	s17 =	sadd.s32 $0x10, s17  }
0x40: {  	v3 =	vand.u32 $0x180, v3;
	v5 =	vadd.s32 v2, v4;
	p0 =	slt.u32 s17, $0xEF0  }
.Ltmp3:
0x41: {  	vm1 =	veq.s32 v1, $0x80000000;
	v4 =	vand.u32 $0x7F, v1;
	v2 =	vmovc v1;
	s16 =	smov.u32 s15;
	v0 =	vor.u32 v3, v5;
	v1 =	vld.msk [tilespmem:s18+$0x0 ss:$0x1], $0xffff;
	(pc) =	sbr.rel @p0 .LBB2_3-.Ltmp3, $4  }
0x42: {  	v3 =	vsel vm1, $0xFFFFFFFF, v4;
	v4 =	vshrl.u32 v2, $0x7;
	v2 =	vand.u32 $0x7FE00, v2  }
0x43: {  	v4 =	vand.u32 $0x3, v4;
	v2 =	vsel vm1, $0xFFFFFE00, v2;
	v5 =	vand.u32 $0xFFFFFE00, v3  }
0x44: {  	v6 =	vand.u32 $0x7F, v3;
	v4 =	vsel vm1, $0xFFFFFFFF, v4;
	v5 =	vadd.s32 v2, v5  }
0x45: {  	s15 =	sadd.s32 $0x10, s15;
	s18 =	sadd.s32 $0x10, s18;
	v2 =	vand.u32 $0xFFFFFE00, v4;
	v3 =	vshll.u32 v4, $0x7;
	v4 =	vor.u32 v6, v5;
	(ifvalue) =	ssetifvalue $0x7FFFFFFF  }
.Ltmp4:
0x46: {  	_ = 	snop;
	(pc) =	sbr.rel .LBB2_4-.Ltmp4, $1  }
0x47: {  	_ =	sdelay $0x3  }
.LBB2_6:
0x48: {  	_ =	sfence.sel $0x180000  }
0x49: {  	s2 =	simm.s32 $0x2;
	[bflag:$0x0] =	sbarrier.arrive $0xFFFF  }
0x4a: {  	s30 =	simm.s32 $0x3;
	[sflag:s2] =	ssyncpa.u1 $0x1  }
0x4b: {  	s31 =	simm.s32 $0x1;
	[sflag:s30] =	ssyncpa.u1 $0x1  }
0x4c: {  	[sflag:s31] =	ssyncpa.u1 $0x1  }
0x4d: {  	p0 =	sne.s32 s1, $0x0;
	_ =	strace $0x90000053  }
0x4e: {  	s0 =	sadd.s32 @!p0 $0x100000, s0;
	[bflag:$0x2] =	sbarrier.arrive $0xFFFF  }
0x4f: {  	[sflag:s0] =	ssyncadd.tile.s32 @!p0 $0x1;
	_ =	shalt  }
.Lfunc_end2:
_tile_overlayer_lowered:
.L_overlay_start_2:
0x50: {  	(tag) =	ssettag $0x2  }
0x51: {  	s0 =	rddreg [dreg:$0x0];
	s2 =	stileid.u32  }
0x52: {  	s1 =	rddreg [dreg:$0x1];
	p0 =	sne.s32 s2, $0x0  }
0x53: {  	s3 =	rddreg [dreg:$0x2];
	[bflag:$0x3] =	sbarrier.arrive $0xFFFF;
	s2 =	simm.s32 @!p0 $0x1C01  }
0x54: {  	[timem:s3], [sflag:s2] =	dma.local @!p0 [hbm:s0], s1  }
0x55: {  	s0 =	simm.s32 @!p0 $0x1  }
0x56: {  	_ =	swait.ge @!p0 [sflag:s0], s1  }
0x57: {  	s1 =	ssub.s32 @!p0 $0x0, s1;
	[sflag:s0] =	ssyncset.done @!p0 $0x0  }
0x58: {  	[sflag:s0] =	ssyncadd.s32 @!p0 s1  }
0x59: {  	[bflag:$0x3] =	sbarrier.arrive $0xFFFF  }
0x5a: {  	_ =	shalt  }

// kernel: gather_offload_async_start.3
scs
__scs_entry_jumppad:
0x0: {  	(pc) =	sbr.rel $0x88, $3  }
0x1: {  	(tag) =	ssettag $0x0;
	lr =	simm.s32 $0x1  }
0x2: {  	[smem:$0x3F9D] =	sst lr;
	_ =	strace $0xD0000000  }
0x3: {  	_ = 	snop  }
0x4: {  	_ = 	snop  }
0x5: {  	_ = 	snop  }
0x6: {  	_ = 	snop  }
0x7: {  	_ = 	snop  }
__scs_overlays_trampoline_lowered:
0x8: {  	[smem:$0x3FAC] =	sst s0  }
0x9: {  	[smem:$0x3FAD] =	sst s1  }
0xa: {  	[smem:$0x3FAE] =	sst s2  }
0xb: {  	[smem:$0x3FAF] =	sst s3  }
0xc: {  	[smem:$0x3FB0] =	sst s4  }
0xd: {  	[smem:$0x3FB1] =	sst s5  }
0xe: {  	[smem:$0x3FB2] =	sst s6  }
0xf: {  	[smem:$0x3FB3] =	sst s7  }
0x10: {  	[smem:$0x3FB4] =	sst s8  }
0x11: {  	[smem:$0x3FB5] =	sst s9;
	s0 =	simm.s32 @!p0 $0x0  }
0x12: {  	s1 =	sld [smem:$0x3F9B];
	s0 =	simm.s32 @p0 $0x1  }
0x13: {  	[smem:$0x3FB6] =	sst s0;
	s0 =	simm.s32 @!p1 $0x0  }
0x14: {  	s2 =	sld [smem:$0x3F9A];
	s0 =	simm.s32 @p1 $0x1  }
0x15: {  	[smem:$0x3FB7] =	sst s0;
	s0 =	simm.s32 @!p2 $0x0  }
0x16: {  	s3 =	sld [smem:$0x3FDB];
	s0 =	simm.s32 @p2 $0x1  }
0x17: {  	s4 =	simm.s32 $0x1BF5;
	[smem:$0x3FB9] =	sst s0  }
0x18: {  	s0 =	sld [smem:$0x3F9C];
	_ =	swait.ge [sflag:s4], $0x0  }
0x19: {  	s7 =	sld [smem:$0x3F9D]  }
0x1a: {  	s8 =	sadd.s32 $0xFFFFE003, lr  }
0x1b: {  	s9 =	sadd.s32 $0xFFFFFEF7, lr;
	s5 =	simm.s32 $0xFFFFFFFF;
	p2 =	slt.u32 s8, $0xFFFFF086  }
0x1c: {  	p1 =	slt.u32 s9, $0xF7A;
	s5 =	simm.s32 @!p2 $0x0  }
0x1d: {  	s5 =	simm.s32 @p1 $0x1;
	p0 =	seq.s32 s7, s2  }
0x1e: {  	s7 =	smul.u32 @!p0 $0xF7A, s2;
	p2 =	seq.s32 @!p0 s5, $0x0  }
0x1f: {  	s9 =	smul.u32 $0xF7A, s1;
	s8 =	simm.s32 @!p0 $0x1BF5;
	p2 =	por !p2, p0  }
0x20: {  	[sflag:s8] =	ssyncset.s32 @!p0 $0xFFFFF086;
	s6 =	sadd.s32 @!p0 s3, s7;
	s7 =	simm.s32 @!p0 $0x108  }
0x21: {  	s3 =	sadd.s32 s3, s9;
	s6 =	sadd.s32 @!p0 $0x88, s6;
	s7 =	simm.s32 @p2 $0x1082  }
0x22: {  	[simem:s7], [sflag:s8] =	dma.local @!p0 [hbm:s6], $0xF7A  }
0x23: {  	s9 =	sor.u32 $0xD0000000, s2;
	s6 =	simm.s32 $0x108;
	_ =	swait.ge @!p0 [sflag:s8], $0x0  }
0x24: {  	s3 =	sadd.s32 $0x88, s3;
	s6 =	simm.s32 @!p1 $0x1082;
	[sflag:s4] =	ssyncset.s32 $0xFFFFF086  }
0x25: {  	[simem:s6], [sflag:s4] =	dma.local [hbm:s3], $0xF7A  }
0x26: {  	[smem:$0x3F9D] =	sst s1;
	(tag) =	ssettag s2;
	_ =	strace s9  }
0x27: {  	s1 =	sld [smem:$0x3FAD]  }
0x28: {  	s2 =	sld [smem:$0x3FAE]  }
0x29: {  	s4 =	sld [smem:$0x3FB0]  }
0x2a: {  	p0 =	seq.s32 s5, $0x0;
	s5 =	sld [smem:$0x3FB1]  }
0x2b: {  	s6 =	sld [smem:$0x3FB2]  }
0x2c: {  	s7 =	sld [smem:$0x3FB3]  }
0x2d: {  	s3 =	simm.s32 $0x108;
	s8 =	sld [smem:$0x3FB4]  }
0x2e: {  	s3 =	simm.s32 @!p0 $0x1082;
	s9 =	sld [smem:$0x3FB5]  }
0x2f: {  	lr =	sadd.s32 s0, s3;
	s0 =	sld [smem:$0x3FAC]  }
0x30: {  	s3 =	sld [smem:$0x3FAF]  }
0x31: {  	[smem:$0x3FB8] =	sst s10  }
0x32: {  	s10 =	sld [smem:$0x3FB6];
	_ =	sdelay $0x3  }
0x33: {  	p0 =	seq.s32 s10, $0x1;
	s10 =	sld [smem:$0x3FB8];
	_ =	sdelay $0x3  }
0x34: {  	[smem:$0x3FB8] =	sst s10  }
0x35: {  	s10 =	sld [smem:$0x3FB7];
	_ =	sdelay $0x3  }
0x36: {  	p1 =	seq.s32 s10, $0x1;
	s10 =	sld [smem:$0x3FB8];
	_ =	sdelay $0x3  }
0x37: {  	[smem:$0x3FB8] =	sst s10  }
0x38: {  	s10 =	sld [smem:$0x3FB9]  }
0x39: {  	_ = 	snop;
	(pc) =	sbr.ind lr, $3  }
0x3a: {  	_ = 	snop  }
0x3b: {  	_ = 	snop  }
0x3c: {  	p2 =	seq.s32 s10, $0x1;
	s10 =	sld [smem:$0x3FB8]  }
0x3d: {  	_ =	shalt  }
0x3e: {  	_ =	shalt  }
0x3f: {  	_ =	shalt  }
0x40: {  	_ =	shalt  }
0x41: {  	_ =	shalt  }
0x42: {  	_ =	shalt  }
0x43: {  	_ =	shalt  }
0x44: {  	_ =	shalt  }
0x45: {  	_ =	shalt  }
0x46: {  	_ =	shalt  }
0x47: {  	_ =	shalt  }
0x48: {  	_ =	shalt  }
0x49: {  	_ =	shalt  }
0x4a: {  	_ =	shalt  }
0x4b: {  	_ =	shalt  }
0x4c: {  	_ =	shalt  }
0x4d: {  	_ =	shalt  }
0x4e: {  	_ =	shalt  }
0x4f: {  	_ =	shalt  }
0x50: {  	_ =	shalt  }
0x51: {  	_ =	shalt  }
0x52: {  	_ =	shalt  }
0x53: {  	_ =	shalt  }
0x54: {  	_ =	shalt  }
0x55: {  	_ =	shalt  }
0x56: {  	_ =	shalt  }
0x57: {  	_ =	shalt  }
0x58: {  	_ =	shalt  }
0x59: {  	_ =	shalt  }
0x5a: {  	_ =	shalt  }
0x5b: {  	_ =	shalt  }
0x5c: {  	_ =	shalt  }
0x5d: {  	_ =	shalt  }
0x5e: {  	_ =	shalt  }
0x5f: {  	_ =	shalt  }
0x60: {  	_ =	shalt  }
0x61: {  	_ =	shalt  }
0x62: {  	_ =	shalt  }
0x63: {  	_ =	shalt  }
0x64: {  	_ =	shalt  }
0x65: {  	_ =	shalt  }
0x66: {  	_ =	shalt  }
0x67: {  	_ =	shalt  }
0x68: {  	_ =	shalt  }
0x69: {  	_ =	shalt  }
0x6a: {  	_ =	shalt  }
0x6b: {  	_ =	shalt  }
0x6c: {  	_ =	shalt  }
0x6d: {  	_ =	shalt  }
0x6e: {  	_ =	shalt  }
0x6f: {  	_ =	shalt  }
0x70: {  	_ =	shalt  }
0x71: {  	_ =	shalt  }
0x72: {  	_ =	shalt  }
0x73: {  	_ =	shalt  }
0x74: {  	_ =	shalt  }
0x75: {  	_ =	shalt  }
0x76: {  	_ =	shalt  }
0x77: {  	_ =	shalt  }
0x78: {  	_ =	shalt  }
0x79: {  	_ =	shalt  }
0x7a: {  	_ =	shalt  }
0x7b: {  	_ =	shalt  }
0x7c: {  	_ =	shalt  }
0x7d: {  	_ =	shalt  }
0x7e: {  	_ =	shalt  }
0x7f: {  	_ =	shalt  }
0x80: {  	_ =	shalt  }
0x81: {  	_ =	shalt  }
0x82: {  	_ =	shalt  }
0x83: {  	_ =	shalt  }
0x84: {  	_ =	shalt  }
0x85: {  	_ =	shalt  }
0x86: {  	_ =	shalt  }
0x87: {  	_ =	shalt  }
.Lfunc_end0:
.L_simem_size_0:
called_computation.3_lowered:
.L_overlay_start_0:
0x88: {  	s2 =	sld [smem:$0x3FD9]  }
0x89: {  	s3 =	sld [smem:$0x3FFE];
	_ =	sdelay $0x1  }
0x8a: {  	s1 =	srdreg.scid  }
0x8b: {  	s0 =	sand.u32 $0x1, s1  }
0x8c: {  	s14 =	sshll.u32 s0, $0xA;
	s2 =	sadd.s32 s3, s2  }
0x8d: {  	s2 =	sadd.s32 s2, s14  }
0x8e: {  	[smem:$0x3FC4] =	sst s2  }
0x8f: {  	_ = 	snop  }
0x90: {  	s2 =	sld [smem:$0x3FD0];
	_ =	sdelay $0x2  }
0x91: {  	s15 =	simm.s32 $0xA;
	s4 =	simm.s32 $0x10  }
0x92: {  	[smem:s4], [sflag:s15] =	dma.local [hbm:s2], $0x1  }
0x93: {  	_ =	swait.eq [sflag:s15], $0x1  }
0x94: {  	[sflag:s15] =	ssyncset.done $0x0  }
0x95: {  	s16 =	sld [smem:$0x11];
	[sflag:s15] =	ssyncadd.s32 $0xFFFFFFFF  }
0x96: {  	s17 =	sld [smem:$0x12];
	(tm) =	ssettm $0x1  }
0x97: {  	s18 =	sld [smem:$0x3FFB];
	_ =	sdelay $0x3  }
0x98: {  	_ =	strace s18  }
0x99: {  	s4 =	sld [smem:$0x3FFC];
	_ =	sdelay $0x3  }
0x9a: {  	_ =	strace s4  }
0x9b: {  	s4 =	sld [smem:$0x3FFD];
	_ =	sdelay $0x3  }
0x9c: {  	_ =	strace s4  }
0x9d: {  	_ =	strace $0x8FFFFFFF  }
0x9e: {  	s19 =	sld [smem:$0x3FDB];
	_ =	sdelay $0x1  }
0x9f: {  	s5 =	simm.s32 $_scs_section_size  }
0xa0: {  	s6 =	simm.s32 $_size__tile_overlayer_lowered;
	s7 =	simm.s32 $_tile_overlayer_lowered  }
0xa1: {  	s22 =	simm.s32 $0x1BFF;
	s21 =	sshll.u32 s7, $0x1;
	s4 =	sadd.s32 s5, s19  }
0xa2: {  	s8 =	simm.s32 $0x0;
	s20 =	sshll.u32 s6, $0x1;
	s6 =	sadd.s32 s21, s4  }
0xa3: {  	[timem:s8], [sflag:s22] =	dma.local [hbm:s6], s20  }
0xa4: {  	_ =	swait.ge [sflag:s22], s20  }
0xa5: {  	s5 =	ssub.s32 $0x0, s20;
	[sflag:s22] =	ssyncset.done $0x0  }
0xa6: {  	[sflag:s22] =	ssyncadd.s32 s5;
	_ =	sdelay $0x1  }
0xa7: {  	s23 =	simm.s32 $0x1B8B  }
0xa8: {  	_ =	swait.ge [sflag:s23], $0x1  }
0xa9: {  	[sflag:s23] =	ssyncset.done $0x0  }
0xaa: {  	s25 =	simm.s32 $0x1B8E;
	s24 =	sld [smem:$0x3FFE];
	[sflag:s23] =	ssyncadd.s32 $0xFFFFFFFF  }
0xab: {  	s26 =	simm.s32 $execute0_lowered;
	[smem:$0x3FD2] =	sst s25  }
0xac: {  	s6 =	sshll.u32 s26, $0x1;
	_ =	strace $0x8000004C;
	[dreg:$0x1] =	wrdreg $0xFFFFFFFF  }
0xad: {  	s28 =	simm.s32 $_size_execute0_lowered;
	s4 =	sadd.s32 s4, s6;
	[dreg:$0x0] =	wrdreg $0x0  }
0xae: {  	s6 =	sshll.u32 s28, $0x1;
	[dreg:$0x2] =	wrdreg s4  }
0xaf: {  	[dreg:$0x3] =	wrdreg s6  }
0xb0: {  	[dreg:$0x4] =	wrdreg $0xC0  }
0xb1: {  	_ =	task [dreg:s8], $0x5FFFF  }
0xb2: {  	[dreg:$0x1] =	wrdreg $0xFFFFFFFF  }
0xb3: {  	[dreg:$0x0] =	wrdreg $0x60  }
0xb4: {  	[dreg:$0x2] =	wrdreg s17  }
0xb5: {  	[dreg:$0x3] =	wrdreg s16  }
0xb6: {  	[dreg:$0x4] =	wrdreg s24  }
0xb7: {  	[dreg:$0x5] =	wrdreg $0x9  }
0xb8: {  	_ =	task.clear_ibuf [dreg:s8], $0x6FFFF;
	_ =	strace $0x9000004C  }
0xb9: {  	s29 =	simm.s32 $0x9;
	_ =	strace $0x8000004E  }
0xba: {  	_ =	swait.ge [sflag:s29], $0x1  }
0xbb: {  	[sflag:s29] =	ssyncadd.s32 $0xFFFFFFFF  }
0xbc: {  	_ =	strace $0x9000004E  }
0xbd: {  	_ =	sfence  }
0xbe: {  	s30 =	sld [smem:$0x0];
	_ =	sdelay $0x2  }
0xbf: {  	s31 =	sshll.u32 s1, $0xD;
	s1 =	sshrl.u32 s1, $0x2  }
0xc0: {  	s3 =	sand.u32 $0x4000, s31;
	s1 =	sadd.s32 s1, s30  }
0xc1: {  	s0 =	sor.u32 s3, s0;
	s1 =	sshll.u32 s1, $0x11  }
0xc2: {  	s0 =	sor.u32 s1, s0  }
0xc3: {  	s0 =	sadd.s32 $0x8F2B, s0  }
0xc4: {  	[sflag:s0] =	ssyncadd.remote.s32 $0x1  }
0xc5: {  	_ =	sfence.sel $0xFFFF  }
0xc6: {  	[dreg:$0x0] =	wrdreg $0xFFFFFFFF;
	(pc) =	sbr.abs _section_cstart, $3  }
0xc7: {  	[dreg:$0x1] =	wrdreg $0xFFFFFFFF  }
0xc8: {  	_ =	task.clear_ibuf [dreg:s8], $0x2FFFF;
	_ =	strace $0x9FFFFFFF  }
0xc9: {  	(tm) =	ssettm $0x7FFFFFFF  }
tec
execute0_lowered:
.L_overlay_start_1:
0x0: {  	(tag) =	ssettag $0x1  }
0x1: {  	s2 =	rddreg [dreg:$0x0]  }
0x2: {  	s3 =	rddreg [dreg:$0x1]  }
0x3: {  	s8 =	rddreg [dreg:$0x2];
	s1 =	stileid.u32  }
0x4: {  	s4 =	srdreg.scid;
	s0 =	rddreg [dreg:$0x3];
	_ =	strace $0x8000004D  }
0x5: {  	s7 =	simm.s32 $0x1;
	s9 =	simm.s32 $0x1;
	s10 =	simm.s32 $0x3  }
0x6: {  	s13 =	simm.s32 $0x0;
	s5 =	sand.u32 $0x1, s4;
	s6 =	sshll.u32 s1, $0x1  }
0x7: {  	s12 =	simm.s32 $0x0;
	s4 =	simm.s32 $0x1;
	s5 =	sor.u32 s6, s5  }
.Ltmp0:
0x8: {  	[sflag:s4] =	ssyncpa.u1 $0x0;
	p0 =	slt.u32 s5, $0x9;
	(pc) =	sbr.rel .LBB2_1-.Ltmp0, $4  }
0x9: {  	s6 =	simm.s32 $0x2;
	s7 =	simm.s32 @!p0 $0x0;
	p0 =	sne.s32 s5, $0x8  }
0xa: {  	[sflag:s6] =	ssyncpa.u1 $0x0;
	s5 =	smul.u32 $0x3C0, s5;
	s9 =	simm.s32 @!p0 $0x0  }
0xb: {  	s8 =	sadd.s32 $0x1CBE00, s8;
	[sflag:s10] =	ssyncpa.u1 $0x0;
	s7 =	sadd.s32 s9, s7  }
0xc: {  	vm0 =	vmmov $0xffff;
	s10 =	simm.s32 $0x0;
	s11 =	smov.u32 s5;
	s9 =	sadd.s32 $0x1, s7  }
.LBB2_4:
0xd: {  	vm1 =	veq.s32 v4, $0x80000000;
	v56 =	vand.u32 $0x7F, v4;
	v6 =	vand.u32 $0x1FF, v6  }
0xe: {  	v2 =	vor.u32 v2, v5;
	v59 =	vshrl.u32 v1, $0x7;
	v60 =	vand.u32 $0x7F, v1  }
0xf: {  	v4 =	vsel vm1, $0xFFFFFFFF, v56;
	v6 =	vsel vm1, $0xFFFFFFFF, v6;
	v2 =	vor.u32 v3, v2  }
0x10: {  	vm1 =	veq.s32 v1, $0x80000000;
	v5 =	vand.u32 $0x1FF, v59;
	v7 =	vshrl.u32 v4, $0x3  }
0x11: {  	v57 =	vshll.u32 v6, $0x3;
	v4 =	vshll.u32 v4, $0x7;
	v1 =	vsel vm1, $0xFFFFFFFF, v60  }
0x12: {  	v5 =	vsel vm1, $0xFFFFFFFF, v5;
	v6 =	vand.u32 $0x7F, v6;
	v7 =	vmul.u32 $0xC00, v7  }
0x13: {  	v58 =	vand.u32 $0xFFFFFC00, v57;
	v4 =	vand.u32 $0x380, v4;
	v61 =	vshrl.u32 v1, $0x3  }
0x14: {  	v62 =	vshll.u32 v5, $0x3;
	v3 =	vadd.s32 v7, v58;
	v7 =	vmul.u32 $0xC00, v61  }
0x15: {  	v1 =	vshll.u32 v1, $0x7;
	v3 =	vor.u32 v4, v3;
	v4 =	vand.u32 $0xFFFFFC00, v62  }
0x16: {  	v1 =	vand.u32 $0x380, v1;
	v3 =	vor.u32 v6, v3;
	v4 =	vadd.s32 v7, v4  }
0x17: {  	[tilespmem:s16], [sflag:$0x1] =	stream.indirect_vreg.gather [hbm4b:s2+s10], $0x1, v0, vm0, $0x4038;
	v63 =	vand.u32 $0x7F, v5;
	v1 =	vor.u32 v1, v4;
	[tilespmem:$0xF00] =	vst v63  }
0x18: {  	s15 =	sadd.s32 $0x10, s15;
	(ifvalue) =	ssetifvalue $0x7FFFFFFF;
	v0 =	vor.u32 v63, v1  }
0x19: {  	[tilespmem:s15], [sflag:$0x1] =	stream.indirect_vreg.gather [hbm4b:s2+s10], $0x1, v2, vm0, $0x4038;
	[tilespmem:$0xF00] =	vst v63  }
0x1a: {  	s15 =	sadd.s32 $0x10, s15;
	(ifvalue) =	ssetifvalue $0x7FFFFFFF  }
0x1b: {  	[tilespmem:s15], [sflag:$0x1] =	stream.indirect_vreg.gather [hbm4b:s2+s10], $0x1, v3, vm0, $0x4038;
	[tilespmem:$0xF00] =	vst v63  }
0x1c: {  	s15 =	sadd.s32 $0x10, s15;
	(ifvalue) =	ssetifvalue $0x7FFFFFFF  }
0x1d: {  	[tilespmem:s15], [sflag:$0x1] =	stream.indirect_vreg.gather [hbm4b:s2+s10], $0x1, v0, vm0, $0x4038;
	[tilespmem:$0xF00] =	vst v63  }
0x1e: {  	_ =	swait.ge [sflag:s4], $0x3C0  }
0x1f: {  	s30 =	sshrl.u32 s13, $0x3;
	[sflag:s4] =	ssyncset.done $0x0  }
0x20: {  	s31 =	sand.u32 $0x7, s13;
	s15 =	sadd.s32 s8, s30;
	[sflag:s4] =	ssyncadd.s32 $0xFFFFFC40  }
0x21: {  	[hbm4b:s15+s31] =	stream.linear.scatter [tilespmem:s14], [sflag:$0x3], $0x3C0, $0x38;
	[tilespmem:$0xF00] =	vst v63  }
.LBB2_5:
0x22: {  	s15 =	sadd.s32 $0x7800, s11  }
0x23: {  	p1 =	sgt.s32 s15, $0x95FF  }
0x24: {  	s15 =	smov.u32 @p1 s5;
	p1 =	sne.s32 s12, s9  }
.Ltmp1:
0x25: {  	p0 =	slt.u32 s12, $0x2;
	(pc) =	sbr.rel @!p1 .LBB2_6-.Ltmp1, $4  }
0x26: {  	s14 =	simm.s32 @!p0 $0x3  }
0x27: {  	_ =	swait.ge @!p0 [sflag:s14], $0x3C0  }
0x28: {  	s16 =	sadd.s32 $0x1, s12;
	s13 =	smov.u32 s11;
	[sflag:s14] =	ssyncset.done @!p0 $0x0  }
0x29: {  	s12 =	smov.u32 s16;
	s11 =	smov.u32 s15;
	[sflag:s14] =	ssyncadd.s32 @!p0 $0xFFFFFC40  }
.LBB2_1:
0x2a: {  	p0 =	sge.u32 s12, s7  }
0x2b: {  	s14 =	sxor.u32 @!p0 $0x1, s12  }
0x2c: {  	s14 =	smul.u32 @!p0 $0xF00, s14  }
0x2d: {  	s31 =	sadd.s32 $0xFFFFFFFF, s12;
	s15 =	sshrl.u32 @!p0 s11, $0x3  }
0x2e: {  	s16 =	sand.u32 @!p0 $0x7, s11;
	s15 =	sadd.s32 @!p0 s3, s15;
	s14 =	sshra.s32 @!p0 s14, $0x2  }
0x2f: {  	[tilespmem:s14], [sflag:$0x2] =	stream.linear.gather @!p0 [hbm4b:s15+s16], $0x3C0, $0x38;
	[tilespmem:$0xF00] =	vst v63  }
0x30: {  	p0 =	sge.u32 s31, s7  }
.Ltmp2:
0x31: {  	_ = 	snop;
	(pc) =	sbr.rel @p0 .LBB2_5-.Ltmp2, $1  }
0x32: {  	_ =	sdelay $0x3  }
0x33: {  	s14 =	sand.u32 $0x1, s12  }
0x34: {  	_ =	swait.ge [sflag:s6], $0x3C0;
	p0 =	seq.s32 s14, $0x1;
	s14 =	simm.s32 $0x3C0  }
0x35: {  	[sflag:s6] =	ssyncset.done $0x0;
	s14 =	simm.s32 @!p0 $0x0  }
0x36: {  	[sflag:s6] =	ssyncadd.s32 $0xFFFFFC40;
	(ifvalue) =	ssetifvalue $0x7FFFFFFF;
	v0 =	vld.msk [tilespmem:s14+$0x0 ss:$0x1], $0xffff  }
0x37: {  	s15 =	sadd.s32 $0x10, s14  }
0x38: {  	v1 =	vld.msk [tilespmem:s15+$0x0 ss:$0x1], $0xffff;
	_ =	sdelay $0x2  }
0x39: {  	v2 =	vshrl.u32 v0, $0x7  }
0x3a: {  	vm1 =	veq.s32 v0, $0x80000000;
	v0 =	vand.u32 $0x7F, v0;
	v2 =	vand.u32 $0x1FF, v2  }
0x3b: {  	v0 =	vsel vm1, $0xFFFFFFFF, v0;
	v6 =	vshrl.u32 v1, $0x7;
	v2 =	vsel vm1, $0xFFFFFFFF, v2  }
0x3c: {  	v3 =	vshrl.u32 v0, $0x3;
	v0 =	vshll.u32 v0, $0x7;
	vm1 =	veq.s32 v1, $0x80000000  }
0x3d: {  	s15 =	sadd.s32 $0x10, s15;
	v1 =	vand.u32 $0x7F, v1;
	v4 =	vshll.u32 v2, $0x3;
	v3 =	vmul.u32 $0xC00, v3  }
0x3e: {  	v0 =	vand.u32 $0x380, v0;
	v7 =	vand.u32 $0x7F, v2;
	v5 =	vand.u32 $0xFFFFFC00, v4;
	v4 =	vld.msk [tilespmem:s15+$0x0 ss:$0x1], $0xffff  }
0x3f: {  	v1 =	vsel vm1, $0xFFFFFFFF, v1;
	v2 =	vadd.s32 v3, v5;
	v3 =	vand.u32 $0x1FF, v6  }
0x40: {  	v3 =	vsel vm1, $0xFFFFFFFF, v3;
	v0 =	vor.u32 v0, v2;
	v2 =	vshrl.u32 v1, $0x3  }
0x41: {  	v1 =	vshll.u32 v1, $0x7;
	v5 =	vshll.u32 v3, $0x3;
	v8 =	vmul.u32 $0xC00, v2  }
0x42: {  	s18 =	simm.s32 $0x30;
	s14 =	sadd.s32 $0x780, s14;
	s17 =	sadd.s32 $0x10, s15;
	v2 =	vand.u32 $0x380, v1;
	v0 =	vor.u32 v7, v0;
	v5 =	vand.u32 $0xFFFFFC00, v5  }
0x43: {  	s16 =	smov.u32 s14;
	s15 =	smov.u32 s14;
	v1 =	vld.msk [tilespmem:s17+$0x0 ss:$0x1], $0xffff;
	v3 =	vand.u32 $0x7F, v3;
	(ifvalue) =	ssetifvalue $0x7FFFFFFF;
	v6 =	vshrl.u32 v4, $0x7;
	v5 =	vadd.s32 v8, v5  }
.LBB2_3:
0x44: {  	s18 =	sadd.s32 $0x10, s18  }
0x45: {  	vm1 =	veq.s32 v4, $0x80000000;
	v4 =	vand.u32 $0x7F, v4;
	v6 =	vand.u32 $0x1FF, v6;
	s15 =	sadd.s32 $0x10, s15;
	p0 =	slt.u32 s18, $0x3B0  }
.Ltmp3:
0x46: {  	v5 =	vor.u32 v2, v5;
	v4 =	vsel vm1, $0xFFFFFFFF, v4;
	v7 =	vsel vm1, $0xFFFFFFFF, v6;
	(pc) =	sbr.rel @p0 .LBB2_3-.Ltmp3, $4  }
0x47: {  	v2 =	vshrl.u32 v4, $0x3;
	v6 =	vshll.u32 v7, $0x3;
	v4 =	vshll.u32 v4, $0x7;
	[tilespmem:s16], [sflag:$0x1] =	stream.indirect_vreg.gather [hbm4b:s2+s10], $0x1, v0, vm0, $0x4038;
	[tilespmem:$0xF00] =	vst v63  }
0x48: {  	v0 =	vor.u32 v3, v5;
	s16 =	smov.u32 s15;
	v8 =	vmul.u32 $0xC00, v2;
	v2 =	vand.u32 $0x380, v4  }
0x49: {  	s17 =	sadd.s32 $0x10, s17;
	v9 =	vand.u32 $0xFFFFFC00, v6  }
0x4a: {  	v3 =	vand.u32 $0x7F, v7;
	v6 =	vshrl.u32 v1, $0x7;
	v5 =	vadd.s32 v8, v9;
	(ifvalue) =	ssetifvalue $0x7FFFFFFF;
	v4 =	vmovc v1;
	v1 =	vld.msk [tilespmem:s17+$0x0 ss:$0x1], $0xffff  }
.Ltmp4:
0x4b: {  	_ = 	snop;
	(pc) =	sbr.rel .LBB2_4-.Ltmp4, $1  }
0x4c: {  	_ =	sdelay $0x3  }
.LBB2_6:
0x4d: {  	_ =	sfence.sel $0x180000  }
0x4e: {  	s2 =	simm.s32 $0x2;
	[bflag:$0x0] =	sbarrier.arrive $0xFFFF  }
0x4f: {  	s30 =	simm.s32 $0x3;
	[sflag:s2] =	ssyncpa.u1 $0x1  }
0x50: {  	s31 =	simm.s32 $0x1;
	[sflag:s30] =	ssyncpa.u1 $0x1  }
0x51: {  	[sflag:s31] =	ssyncpa.u1 $0x1  }
0x52: {  	p0 =	sne.s32 s1, $0x0;
	_ =	strace $0x9000004D  }
0x53: {  	s0 =	sadd.s32 @!p0 $0x100000, s0;
	[bflag:$0x2] =	sbarrier.arrive $0xFFFF  }
0x54: {  	[sflag:s0] =	ssyncadd.tile.s32 @!p0 $0x1;
	_ =	shalt  }
.Lfunc_end2:
_tile_overlayer_lowered:
.L_overlay_start_2:
0x55: {  	(tag) =	ssettag $0x2  }
0x56: {  	s0 =	rddreg [dreg:$0x0];
	s2 =	stileid.u32  }
0x57: {  	s1 =	rddreg [dreg:$0x1];
	p0 =	sne.s32 s2, $0x0  }
0x58: {  	s3 =	rddreg [dreg:$0x2];
	[bflag:$0x3] =	sbarrier.arrive $0xFFFF;
	s2 =	simm.s32 @!p0 $0x1C01  }
0x59: {  	[timem:s3], [sflag:s2] =	dma.local @!p0 [hbm:s0], s1  }
0x5a: {  	s0 =	simm.s32 @!p0 $0x1  }
0x5b: {  	_ =	swait.ge @!p0 [sflag:s0], s1  }
0x5c: {  	s1 =	ssub.s32 @!p0 $0x0, s1;
	[sflag:s0] =	ssyncset.done @!p0 $0x0  }
0x5d: {  	[sflag:s0] =	ssyncadd.s32 @!p0 s1  }
0x5e: {  	[bflag:$0x3] =	sbarrier.arrive $0xFFFF  }
0x5f: {  	_ =	shalt  }

// kernel: gather_offload_async_start.4
scs
__scs_entry_jumppad:
0x0: {  	(pc) =	sbr.rel $0x88, $3  }
0x1: {  	(tag) =	ssettag $0x0;
	lr =	simm.s32 $0x1  }
0x2: {  	[smem:$0x3F9D] =	sst lr;
	_ =	strace $0xD0000000  }
0x3: {  	_ = 	snop  }
0x4: {  	_ = 	snop  }
0x5: {  	_ = 	snop  }
0x6: {  	_ = 	snop  }
0x7: {  	_ = 	snop  }
__scs_overlays_trampoline_lowered:
0x8: {  	[smem:$0x3FAC] =	sst s0  }
0x9: {  	[smem:$0x3FAD] =	sst s1  }
0xa: {  	[smem:$0x3FAE] =	sst s2  }
0xb: {  	[smem:$0x3FAF] =	sst s3  }
0xc: {  	[smem:$0x3FB0] =	sst s4  }
0xd: {  	[smem:$0x3FB1] =	sst s5  }
0xe: {  	[smem:$0x3FB2] =	sst s6  }
0xf: {  	[smem:$0x3FB3] =	sst s7  }
0x10: {  	[smem:$0x3FB4] =	sst s8  }
0x11: {  	[smem:$0x3FB5] =	sst s9;
	s0 =	simm.s32 @!p0 $0x0  }
0x12: {  	s1 =	sld [smem:$0x3F9B];
	s0 =	simm.s32 @p0 $0x1  }
0x13: {  	[smem:$0x3FB6] =	sst s0;
	s0 =	simm.s32 @!p1 $0x0  }
0x14: {  	s2 =	sld [smem:$0x3F9A];
	s0 =	simm.s32 @p1 $0x1  }
0x15: {  	[smem:$0x3FB7] =	sst s0;
	s0 =	simm.s32 @!p2 $0x0  }
0x16: {  	s3 =	sld [smem:$0x3FDB];
	s0 =	simm.s32 @p2 $0x1  }
0x17: {  	s4 =	simm.s32 $0x1BF5;
	[smem:$0x3FB9] =	sst s0  }
0x18: {  	s0 =	sld [smem:$0x3F9C];
	_ =	swait.ge [sflag:s4], $0x0  }
0x19: {  	s7 =	sld [smem:$0x3F9D]  }
0x1a: {  	s8 =	sadd.s32 $0xFFFFE003, lr  }
0x1b: {  	s9 =	sadd.s32 $0xFFFFFEF7, lr;
	s5 =	simm.s32 $0xFFFFFFFF;
	p2 =	slt.u32 s8, $0xFFFFF086  }
0x1c: {  	p1 =	slt.u32 s9, $0xF7A;
	s5 =	simm.s32 @!p2 $0x0  }
0x1d: {  	s5 =	simm.s32 @p1 $0x1;
	p0 =	seq.s32 s7, s2  }
0x1e: {  	s7 =	smul.u32 @!p0 $0xF7A, s2;
	p2 =	seq.s32 @!p0 s5, $0x0  }
0x1f: {  	s9 =	smul.u32 $0xF7A, s1;
	s8 =	simm.s32 @!p0 $0x1BF5;
	p2 =	por !p2, p0  }
0x20: {  	[sflag:s8] =	ssyncset.s32 @!p0 $0xFFFFF086;
	s6 =	sadd.s32 @!p0 s3, s7;
	s7 =	simm.s32 @!p0 $0x108  }
0x21: {  	s3 =	sadd.s32 s3, s9;
	s6 =	sadd.s32 @!p0 $0x88, s6;
	s7 =	simm.s32 @p2 $0x1082  }
0x22: {  	[simem:s7], [sflag:s8] =	dma.local @!p0 [hbm:s6], $0xF7A  }
0x23: {  	s9 =	sor.u32 $0xD0000000, s2;
	s6 =	simm.s32 $0x108;
	_ =	swait.ge @!p0 [sflag:s8], $0x0  }
0x24: {  	s3 =	sadd.s32 $0x88, s3;
	s6 =	simm.s32 @!p1 $0x1082;
	[sflag:s4] =	ssyncset.s32 $0xFFFFF086  }
0x25: {  	[simem:s6], [sflag:s4] =	dma.local [hbm:s3], $0xF7A  }
0x26: {  	[smem:$0x3F9D] =	sst s1;
	(tag) =	ssettag s2;
	_ =	strace s9  }
0x27: {  	s1 =	sld [smem:$0x3FAD]  }
0x28: {  	s2 =	sld [smem:$0x3FAE]  }
0x29: {  	s4 =	sld [smem:$0x3FB0]  }
0x2a: {  	p0 =	seq.s32 s5, $0x0;
	s5 =	sld [smem:$0x3FB1]  }
0x2b: {  	s6 =	sld [smem:$0x3FB2]  }
0x2c: {  	s7 =	sld [smem:$0x3FB3]  }
0x2d: {  	s3 =	simm.s32 $0x108;
	s8 =	sld [smem:$0x3FB4]  }
0x2e: {  	s3 =	simm.s32 @!p0 $0x1082;
	s9 =	sld [smem:$0x3FB5]  }
0x2f: {  	lr =	sadd.s32 s0, s3;
	s0 =	sld [smem:$0x3FAC]  }
0x30: {  	s3 =	sld [smem:$0x3FAF]  }
0x31: {  	[smem:$0x3FB8] =	sst s10  }
0x32: {  	s10 =	sld [smem:$0x3FB6];
	_ =	sdelay $0x3  }
0x33: {  	p0 =	seq.s32 s10, $0x1;
	s10 =	sld [smem:$0x3FB8];
	_ =	sdelay $0x3  }
0x34: {  	[smem:$0x3FB8] =	sst s10  }
0x35: {  	s10 =	sld [smem:$0x3FB7];
	_ =	sdelay $0x3  }
0x36: {  	p1 =	seq.s32 s10, $0x1;
	s10 =	sld [smem:$0x3FB8];
	_ =	sdelay $0x3  }
0x37: {  	[smem:$0x3FB8] =	sst s10  }
0x38: {  	s10 =	sld [smem:$0x3FB9]  }
0x39: {  	_ = 	snop;
	(pc) =	sbr.ind lr, $3  }
0x3a: {  	_ = 	snop  }
0x3b: {  	_ = 	snop  }
0x3c: {  	p2 =	seq.s32 s10, $0x1;
	s10 =	sld [smem:$0x3FB8]  }
0x3d: {  	_ =	shalt  }
0x3e: {  	_ =	shalt  }
0x3f: {  	_ =	shalt  }
0x40: {  	_ =	shalt  }
0x41: {  	_ =	shalt  }
0x42: {  	_ =	shalt  }
0x43: {  	_ =	shalt  }
0x44: {  	_ =	shalt  }
0x45: {  	_ =	shalt  }
0x46: {  	_ =	shalt  }
0x47: {  	_ =	shalt  }
0x48: {  	_ =	shalt  }
0x49: {  	_ =	shalt  }
0x4a: {  	_ =	shalt  }
0x4b: {  	_ =	shalt  }
0x4c: {  	_ =	shalt  }
0x4d: {  	_ =	shalt  }
0x4e: {  	_ =	shalt  }
0x4f: {  	_ =	shalt  }
0x50: {  	_ =	shalt  }
0x51: {  	_ =	shalt  }
0x52: {  	_ =	shalt  }
0x53: {  	_ =	shalt  }
0x54: {  	_ =	shalt  }
0x55: {  	_ =	shalt  }
0x56: {  	_ =	shalt  }
0x57: {  	_ =	shalt  }
0x58: {  	_ =	shalt  }
0x59: {  	_ =	shalt  }
0x5a: {  	_ =	shalt  }
0x5b: {  	_ =	shalt  }
0x5c: {  	_ =	shalt  }
0x5d: {  	_ =	shalt  }
0x5e: {  	_ =	shalt  }
0x5f: {  	_ =	shalt  }
0x60: {  	_ =	shalt  }
0x61: {  	_ =	shalt  }
0x62: {  	_ =	shalt  }
0x63: {  	_ =	shalt  }
0x64: {  	_ =	shalt  }
0x65: {  	_ =	shalt  }
0x66: {  	_ =	shalt  }
0x67: {  	_ =	shalt  }
0x68: {  	_ =	shalt  }
0x69: {  	_ =	shalt  }
0x6a: {  	_ =	shalt  }
0x6b: {  	_ =	shalt  }
0x6c: {  	_ =	shalt  }
0x6d: {  	_ =	shalt  }
0x6e: {  	_ =	shalt  }
0x6f: {  	_ =	shalt  }
0x70: {  	_ =	shalt  }
0x71: {  	_ =	shalt  }
0x72: {  	_ =	shalt  }
0x73: {  	_ =	shalt  }
0x74: {  	_ =	shalt  }
0x75: {  	_ =	shalt  }
0x76: {  	_ =	shalt  }
0x77: {  	_ =	shalt  }
0x78: {  	_ =	shalt  }
0x79: {  	_ =	shalt  }
0x7a: {  	_ =	shalt  }
0x7b: {  	_ =	shalt  }
0x7c: {  	_ =	shalt  }
0x7d: {  	_ =	shalt  }
0x7e: {  	_ =	shalt  }
0x7f: {  	_ =	shalt  }
0x80: {  	_ =	shalt  }
0x81: {  	_ =	shalt  }
0x82: {  	_ =	shalt  }
0x83: {  	_ =	shalt  }
0x84: {  	_ =	shalt  }
0x85: {  	_ =	shalt  }
0x86: {  	_ =	shalt  }
0x87: {  	_ =	shalt  }
.Lfunc_end0:
.L_simem_size_0:
called_computation.4_lowered:
.L_overlay_start_0:
0x88: {  	s2 =	sld [smem:$0x3FD9]  }
0x89: {  	s3 =	sld [smem:$0x3FFE];
	_ =	sdelay $0x1  }
0x8a: {  	s1 =	srdreg.scid  }
0x8b: {  	s0 =	sand.u32 $0x1, s1  }
0x8c: {  	s16 =	sshll.u32 s0, $0xA;
	s2 =	sadd.s32 s3, s2  }
0x8d: {  	s2 =	sadd.s32 s2, s16  }
0x8e: {  	[smem:$0x3FC4] =	sst s2  }
0x8f: {  	_ = 	snop  }
0x90: {  	(tm) =	ssettm $0x1  }
0x91: {  	s17 =	sld [smem:$0x3FFB];
	_ =	sdelay $0x3  }
0x92: {  	_ =	strace s17  }
0x93: {  	s2 =	sld [smem:$0x3FFC];
	_ =	sdelay $0x3  }
0x94: {  	_ =	strace s2  }
0x95: {  	s2 =	sld [smem:$0x3FFD];
	_ =	sdelay $0x3  }
0x96: {  	_ =	strace s2  }
0x97: {  	_ =	strace $0x8FFFFFFF  }
0x98: {  	s18 =	sld [smem:$0x3FDB];
	_ =	sdelay $0x1  }
0x99: {  	s19 =	simm.s32 $_scs_section_size  }
0x9a: {  	s4 =	simm.s32 $_size__tile_overlayer_lowered;
	s5 =	simm.s32 $_tile_overlayer_lowered  }
0x9b: {  	s22 =	simm.s32 $0x1BFF;
	s21 =	sshll.u32 s5, $0x1;
	s2 =	sadd.s32 s19, s18  }
0x9c: {  	s6 =	simm.s32 $0x0;
	s20 =	sshll.u32 s4, $0x1;
	s4 =	sadd.s32 s21, s2  }
0x9d: {  	[timem:s6], [sflag:s22] =	dma.local [hbm:s4], s20  }
0x9e: {  	_ =	swait.ge [sflag:s22], s20  }
0x9f: {  	s3 =	ssub.s32 $0x0, s20;
	[sflag:s22] =	ssyncset.done $0x0  }
0xa0: {  	[sflag:s22] =	ssyncadd.s32 s3;
	_ =	sdelay $0x1  }
0xa1: {  	s23 =	simm.s32 $0x1B8B  }
0xa2: {  	_ =	swait.ge [sflag:s23], $0x1  }
0xa3: {  	[sflag:s23] =	ssyncset.done $0x0  }
0xa4: {  	s25 =	simm.s32 $0x1B8E;
	s24 =	sld [smem:$0x3FFE];
	[sflag:s23] =	ssyncadd.s32 $0xFFFFFFFF  }
0xa5: {  	s26 =	simm.s32 $execute0_lowered;
	[smem:$0x3FD2] =	sst s25  }
0xa6: {  	s4 =	sshll.u32 s26, $0x1;
	_ =	strace $0x8000004F;
	[dreg:$0x1] =	wrdreg $0xFFFFFFFF  }
0xa7: {  	s28 =	simm.s32 $_size_execute0_lowered;
	s2 =	sadd.s32 s2, s4;
	[dreg:$0x0] =	wrdreg $0x0  }
0xa8: {  	s4 =	sshll.u32 s28, $0x1;
	[dreg:$0x2] =	wrdreg s2  }
0xa9: {  	[dreg:$0x3] =	wrdreg s4  }
0xaa: {  	[dreg:$0x4] =	wrdreg $0xC0  }
0xab: {  	_ =	task [dreg:s6], $0x5FFFF  }
0xac: {  	[dreg:$0x1] =	wrdreg $0xFFFFFFFF  }
0xad: {  	[dreg:$0x0] =	wrdreg $0x60  }
0xae: {  	[dreg:$0x2] =	wrdreg s24  }
0xaf: {  	[dreg:$0x3] =	wrdreg $0x9  }
0xb0: {  	_ =	task.clear_ibuf [dreg:s6], $0x4FFFF;
	_ =	strace $0x9000004F  }
0xb1: {  	s29 =	simm.s32 $0x9;
	_ =	strace $0x80000051  }
0xb2: {  	_ =	swait.ge [sflag:s29], $0x1  }
0xb3: {  	[sflag:s29] =	ssyncadd.s32 $0xFFFFFFFF  }
0xb4: {  	_ =	strace $0x90000051  }
0xb5: {  	_ =	sfence  }
0xb6: {  	s30 =	sld [smem:$0x0];
	_ =	sdelay $0x2  }
0xb7: {  	s31 =	sshll.u32 s1, $0xD;
	s1 =	sshrl.u32 s1, $0x2  }
0xb8: {  	s3 =	sand.u32 $0x4000, s31;
	s1 =	sadd.s32 s1, s30  }
0xb9: {  	s0 =	sor.u32 s3, s0;
	s1 =	sshll.u32 s1, $0x11  }
0xba: {  	s0 =	sor.u32 s1, s0  }
0xbb: {  	s0 =	sadd.s32 $0x8F2B, s0  }
0xbc: {  	[sflag:s0] =	ssyncadd.remote.s32 $0x1  }
0xbd: {  	_ =	sfence.sel $0xFFFF  }
0xbe: {  	[dreg:$0x0] =	wrdreg $0xFFFFFFFF;
	(pc) =	sbr.abs _section_cstart, $3  }
0xbf: {  	[dreg:$0x1] =	wrdreg $0xFFFFFFFF  }
0xc0: {  	_ =	task.clear_ibuf [dreg:s6], $0x2FFFF;
	_ =	strace $0x9FFFFFFF  }
0xc1: {  	(tm) =	ssettm $0x7FFFFFFF  }
tec
execute0_lowered:
.L_overlay_start_1:
0x0: {  	(tag) =	ssettag $0x1  }
0x1: {  	s2 =	rddreg [dreg:$0x0]  }
0x2: {  	s0 =	rddreg [dreg:$0x1];
	s1 =	stileid.u32  }
0x3: {  	s3 =	srdreg.scid;
	_ =	strace $0x80000050;
	s4 =	simm.s32 $0x1  }
0x4: {  	s7 =	simm.s32 $0x1;
	s8 =	simm.s32 $0x1;
	s9 =	simm.s32 $0x3  }
0x5: {  	s10 =	simm.s32 $0x0;
	s5 =	sand.u32 $0x1, s3;
	s6 =	sshll.u32 s1, $0x1  }
0x6: {  	s13 =	simm.s32 $0x0;
	s12 =	simm.s32 $0x0;
	s5 =	sor.u32 s6, s5  }
.Ltmp0:
0x7: {  	[sflag:s4] =	ssyncpa.u1 $0x0;
	p0 =	slt.u32 s5, $0x9;
	(pc) =	sbr.rel .LBB2_1-.Ltmp0, $4  }
0x8: {  	s6 =	simm.s32 $0x2;
	s7 =	simm.s32 @!p0 $0x0;
	p0 =	sne.s32 s5, $0x8  }
0x9: {  	[sflag:s6] =	ssyncpa.u1 $0x0;
	s5 =	smul.u32 $0x3C0, s5;
	s8 =	simm.s32 @!p0 $0x0  }
0xa: {  	s3 =	sadd.s32 $0x1C5800, s2;
	[sflag:s9] =	ssyncpa.u1 $0x0;
	s7 =	sadd.s32 s8, s7  }
0xb: {  	vm0 =	vmmov $0xffff;
	s8 =	sadd.s32 $0x1C6C00, s2;
	s11 =	smov.u32 s5;
	s9 =	sadd.s32 $0x1, s7  }
.LBB2_4:
0xc: {  	vm1 =	veq.s32 v4, $0x80000000;
	v56 =	vand.u32 $0x7F, v4;
	v6 =	vand.u32 $0x1FF, v6  }
0xd: {  	v2 =	vor.u32 v2, v5;
	v59 =	vshrl.u32 v1, $0x7;
	v60 =	vand.u32 $0x7F, v1  }
0xe: {  	v4 =	vsel vm1, $0xFFFFFFFF, v56;
	v6 =	vsel vm1, $0xFFFFFFFF, v6;
	v2 =	vor.u32 v3, v2  }
0xf: {  	vm1 =	veq.s32 v1, $0x80000000;
	v5 =	vand.u32 $0x1FF, v59;
	v7 =	vshrl.u32 v4, $0x3  }
0x10: {  	v57 =	vshll.u32 v6, $0x3;
	v4 =	vshll.u32 v4, $0x7;
	v1 =	vsel vm1, $0xFFFFFFFF, v60  }
0x11: {  	v5 =	vsel vm1, $0xFFFFFFFF, v5;
	v6 =	vand.u32 $0x7F, v6;
	v7 =	vmul.u32 $0xC00, v7  }
0x12: {  	v58 =	vand.u32 $0xFFFFFC00, v57;
	v4 =	vand.u32 $0x380, v4;
	v61 =	vshrl.u32 v1, $0x3  }
0x13: {  	v62 =	vshll.u32 v5, $0x3;
	v3 =	vadd.s32 v7, v58;
	v7 =	vmul.u32 $0xC00, v61  }
0x14: {  	v1 =	vshll.u32 v1, $0x7;
	v3 =	vor.u32 v4, v3;
	v4 =	vand.u32 $0xFFFFFC00, v62  }
0x15: {  	v1 =	vand.u32 $0x380, v1;
	v3 =	vor.u32 v6, v3;
	v4 =	vadd.s32 v7, v4  }
0x16: {  	[tilespmem:s16], [sflag:$0x1] =	stream.indirect_vreg.gather [hbm4b:s2+s10], $0x1, v0, vm0, $0x4038;
	v63 =	vand.u32 $0x7F, v5;
	v1 =	vor.u32 v1, v4;
	[tilespmem:$0xF00] =	vst v63  }
0x17: {  	s15 =	sadd.s32 $0x10, s15;
	(ifvalue) =	ssetifvalue $0x7FFFFFFF;
	v0 =	vor.u32 v63, v1  }
0x18: {  	[tilespmem:s15], [sflag:$0x1] =	stream.indirect_vreg.gather [hbm4b:s2+s10], $0x1, v2, vm0, $0x4038;
	[tilespmem:$0xF00] =	vst v63  }
0x19: {  	s15 =	sadd.s32 $0x10, s15;
	(ifvalue) =	ssetifvalue $0x7FFFFFFF  }
0x1a: {  	[tilespmem:s15], [sflag:$0x1] =	stream.indirect_vreg.gather [hbm4b:s2+s10], $0x1, v3, vm0, $0x4038;
	[tilespmem:$0xF00] =	vst v63  }
0x1b: {  	s15 =	sadd.s32 $0x10, s15;
	(ifvalue) =	ssetifvalue $0x7FFFFFFF  }
0x1c: {  	[tilespmem:s15], [sflag:$0x1] =	stream.indirect_vreg.gather [hbm4b:s2+s10], $0x1, v0, vm0, $0x4038;
	[tilespmem:$0xF00] =	vst v63  }
0x1d: {  	_ =	swait.ge [sflag:s4], $0x3C0  }
0x1e: {  	s30 =	sshrl.u32 s13, $0x3;
	[sflag:s4] =	ssyncset.done $0x0  }
0x1f: {  	s31 =	sand.u32 $0x7, s13;
	s15 =	sadd.s32 s8, s30;
	[sflag:s4] =	ssyncadd.s32 $0xFFFFFC40  }
0x20: {  	[hbm4b:s15+s31] =	stream.linear.scatter [tilespmem:s14], [sflag:$0x3], $0x3C0, $0x38;
	[tilespmem:$0xF00] =	vst v63  }
.LBB2_5:
0x21: {  	s15 =	sadd.s32 $0x7800, s11  }
0x22: {  	p1 =	sgt.s32 s15, $0x95FF  }
0x23: {  	s15 =	smov.u32 @p1 s5;
	p1 =	sne.s32 s12, s9  }
.Ltmp1:
0x24: {  	p0 =	slt.u32 s12, $0x2;
	(pc) =	sbr.rel @!p1 .LBB2_6-.Ltmp1, $4  }
0x25: {  	s14 =	simm.s32 @!p0 $0x3  }
0x26: {  	_ =	swait.ge @!p0 [sflag:s14], $0x3C0  }
0x27: {  	s16 =	sadd.s32 $0x1, s12;
	s13 =	smov.u32 s11;
	[sflag:s14] =	ssyncset.done @!p0 $0x0  }
0x28: {  	s12 =	smov.u32 s16;
	s11 =	smov.u32 s15;
	[sflag:s14] =	ssyncadd.s32 @!p0 $0xFFFFFC40  }
.LBB2_1:
0x29: {  	p0 =	sge.u32 s12, s7  }
0x2a: {  	s14 =	sxor.u32 @!p0 $0x1, s12  }
0x2b: {  	s14 =	smul.u32 @!p0 $0xF00, s14  }
0x2c: {  	s31 =	sadd.s32 $0xFFFFFFFF, s12;
	s15 =	sshrl.u32 @!p0 s11, $0x3  }
0x2d: {  	s16 =	sand.u32 @!p0 $0x7, s11;
	s15 =	sadd.s32 @!p0 s3, s15;
	s14 =	sshra.s32 @!p0 s14, $0x2  }
0x2e: {  	[tilespmem:s14], [sflag:$0x2] =	stream.linear.gather @!p0 [hbm4b:s15+s16], $0x3C0, $0x38;
	[tilespmem:$0xF00] =	vst v63  }
0x2f: {  	p0 =	sge.u32 s31, s7  }
.Ltmp2:
0x30: {  	_ = 	snop;
	(pc) =	sbr.rel @p0 .LBB2_5-.Ltmp2, $1  }
0x31: {  	_ =	sdelay $0x3  }
0x32: {  	s14 =	sand.u32 $0x1, s12  }
0x33: {  	_ =	swait.ge [sflag:s6], $0x3C0;
	p0 =	seq.s32 s14, $0x1;
	s14 =	simm.s32 $0x3C0  }
0x34: {  	[sflag:s6] =	ssyncset.done $0x0;
	s14 =	simm.s32 @!p0 $0x0  }
0x35: {  	[sflag:s6] =	ssyncadd.s32 $0xFFFFFC40;
	(ifvalue) =	ssetifvalue $0x7FFFFFFF;
	v0 =	vld.msk [tilespmem:s14+$0x0 ss:$0x1], $0xffff  }
0x36: {  	s15 =	sadd.s32 $0x10, s14  }
0x37: {  	v1 =	vld.msk [tilespmem:s15+$0x0 ss:$0x1], $0xffff;
	_ =	sdelay $0x2  }
0x38: {  	v2 =	vshrl.u32 v0, $0x7  }
0x39: {  	vm1 =	veq.s32 v0, $0x80000000;
	v0 =	vand.u32 $0x7F, v0;
	v2 =	vand.u32 $0x1FF, v2  }
0x3a: {  	v0 =	vsel vm1, $0xFFFFFFFF, v0;
	v6 =	vshrl.u32 v1, $0x7;
	v2 =	vsel vm1, $0xFFFFFFFF, v2  }
0x3b: {  	v3 =	vshrl.u32 v0, $0x3;
	v0 =	vshll.u32 v0, $0x7;
	vm1 =	veq.s32 v1, $0x80000000  }
0x3c: {  	s15 =	sadd.s32 $0x10, s15;
	v1 =	vand.u32 $0x7F, v1;
	v4 =	vshll.u32 v2, $0x3;
	v3 =	vmul.u32 $0xC00, v3  }
0x3d: {  	v0 =	vand.u32 $0x380, v0;
	v7 =	vand.u32 $0x7F, v2;
	v5 =	vand.u32 $0xFFFFFC00, v4;
	v4 =	vld.msk [tilespmem:s15+$0x0 ss:$0x1], $0xffff  }
0x3e: {  	v1 =	vsel vm1, $0xFFFFFFFF, v1;
	v2 =	vadd.s32 v3, v5;
	v3 =	vand.u32 $0x1FF, v6  }
0x3f: {  	v3 =	vsel vm1, $0xFFFFFFFF, v3;
	v0 =	vor.u32 v0, v2;
	v2 =	vshrl.u32 v1, $0x3  }
0x40: {  	v1 =	vshll.u32 v1, $0x7;
	v5 =	vshll.u32 v3, $0x3;
	v8 =	vmul.u32 $0xC00, v2  }
0x41: {  	s18 =	simm.s32 $0x30;
	s14 =	sadd.s32 $0x780, s14;
	s17 =	sadd.s32 $0x10, s15;
	v2 =	vand.u32 $0x380, v1;
	v0 =	vor.u32 v7, v0;
	v5 =	vand.u32 $0xFFFFFC00, v5  }
0x42: {  	s16 =	smov.u32 s14;
	s15 =	smov.u32 s14;
	v1 =	vld.msk [tilespmem:s17+$0x0 ss:$0x1], $0xffff;
	v3 =	vand.u32 $0x7F, v3;
	(ifvalue) =	ssetifvalue $0x7FFFFFFF;
	v6 =	vshrl.u32 v4, $0x7;
	v5 =	vadd.s32 v8, v5  }
.LBB2_3:
0x43: {  	s18 =	sadd.s32 $0x10, s18  }
0x44: {  	vm1 =	veq.s32 v4, $0x80000000;
	v4 =	vand.u32 $0x7F, v4;
	v6 =	vand.u32 $0x1FF, v6;
	s15 =	sadd.s32 $0x10, s15;
	p0 =	slt.u32 s18, $0x3B0  }
.Ltmp3:
0x45: {  	v5 =	vor.u32 v2, v5;
	v4 =	vsel vm1, $0xFFFFFFFF, v4;
	v7 =	vsel vm1, $0xFFFFFFFF, v6;
	(pc) =	sbr.rel @p0 .LBB2_3-.Ltmp3, $4  }
0x46: {  	v2 =	vshrl.u32 v4, $0x3;
	v6 =	vshll.u32 v7, $0x3;
	v4 =	vshll.u32 v4, $0x7;
	[tilespmem:s16], [sflag:$0x1] =	stream.indirect_vreg.gather [hbm4b:s2+s10], $0x1, v0, vm0, $0x4038;
	[tilespmem:$0xF00] =	vst v63  }
0x47: {  	v0 =	vor.u32 v3, v5;
	s16 =	smov.u32 s15;
	v8 =	vmul.u32 $0xC00, v2;
	v2 =	vand.u32 $0x380, v4  }
0x48: {  	s17 =	sadd.s32 $0x10, s17;
	v9 =	vand.u32 $0xFFFFFC00, v6  }
0x49: {  	v3 =	vand.u32 $0x7F, v7;
	v6 =	vshrl.u32 v1, $0x7;
	v5 =	vadd.s32 v8, v9;
	(ifvalue) =	ssetifvalue $0x7FFFFFFF;
	v4 =	vmovc v1;
	v1 =	vld.msk [tilespmem:s17+$0x0 ss:$0x1], $0xffff  }
.Ltmp4:
0x4a: {  	_ = 	snop;
	(pc) =	sbr.rel .LBB2_4-.Ltmp4, $1  }
0x4b: {  	_ =	sdelay $0x3  }
.LBB2_6:
0x4c: {  	_ =	sfence.sel $0x180000  }
0x4d: {  	s2 =	simm.s32 $0x2;
	[bflag:$0x0] =	sbarrier.arrive $0xFFFF  }
0x4e: {  	s30 =	simm.s32 $0x3;
	[sflag:s2] =	ssyncpa.u1 $0x1  }
0x4f: {  	s31 =	simm.s32 $0x1;
	[sflag:s30] =	ssyncpa.u1 $0x1  }
0x50: {  	[sflag:s31] =	ssyncpa.u1 $0x1  }
0x51: {  	p0 =	sne.s32 s1, $0x0;
	_ =	strace $0x90000050  }
0x52: {  	s0 =	sadd.s32 @!p0 $0x100000, s0;
	[bflag:$0x2] =	sbarrier.arrive $0xFFFF  }
0x53: {  	[sflag:s0] =	ssyncadd.tile.s32 @!p0 $0x1;
	_ =	shalt  }
.Lfunc_end2:
_tile_overlayer_lowered:
.L_overlay_start_2:
0x54: {  	(tag) =	ssettag $0x2  }
0x55: {  	s0 =	rddreg [dreg:$0x0];
	s2 =	stileid.u32  }
0x56: {  	s1 =	rddreg [dreg:$0x1];
	p0 =	sne.s32 s2, $0x0  }
0x57: {  	s3 =	rddreg [dreg:$0x2];
	[bflag:$0x3] =	sbarrier.arrive $0xFFFF;
	s2 =	simm.s32 @!p0 $0x1C01  }
0x58: {  	[timem:s3], [sflag:s2] =	dma.local @!p0 [hbm:s0], s1  }
0x59: {  	s0 =	simm.s32 @!p0 $0x1  }
0x5a: {  	_ =	swait.ge @!p0 [sflag:s0], s1  }
0x5b: {  	s1 =	ssub.s32 @!p0 $0x0, s1;
	[sflag:s0] =	ssyncset.done @!p0 $0x0  }
0x5c: {  	[sflag:s0] =	ssyncadd.s32 @!p0 s1  }
0x5d: {  	[bflag:$0x3] =	sbarrier.arrive $0xFFFF  }
0x5e: {  	_ =	shalt  }

// kernel: gather_offload_async_start
scs
__scs_entry_jumppad:
0x0: {  	(pc) =	sbr.rel $0x88, $3  }
0x1: {  	(tag) =	ssettag $0x0;
	lr =	simm.s32 $0x1  }
0x2: {  	[smem:$0x3F9D] =	sst lr;
	_ =	strace $0xD0000000  }
0x3: {  	_ = 	snop  }
0x4: {  	_ = 	snop  }
0x5: {  	_ = 	snop  }
0x6: {  	_ = 	snop  }
0x7: {  	_ = 	snop  }
__scs_overlays_trampoline_lowered:
0x8: {  	[smem:$0x3FAC] =	sst s0  }
0x9: {  	[smem:$0x3FAD] =	sst s1  }
0xa: {  	[smem:$0x3FAE] =	sst s2  }
0xb: {  	[smem:$0x3FAF] =	sst s3  }
0xc: {  	[smem:$0x3FB0] =	sst s4  }
0xd: {  	[smem:$0x3FB1] =	sst s5  }
0xe: {  	[smem:$0x3FB2] =	sst s6  }
0xf: {  	[smem:$0x3FB3] =	sst s7  }
0x10: {  	[smem:$0x3FB4] =	sst s8  }
0x11: {  	[smem:$0x3FB5] =	sst s9;
	s0 =	simm.s32 @!p0 $0x0  }
0x12: {  	s1 =	sld [smem:$0x3F9B];
	s0 =	simm.s32 @p0 $0x1  }
0x13: {  	[smem:$0x3FB6] =	sst s0;
	s0 =	simm.s32 @!p1 $0x0  }
0x14: {  	s2 =	sld [smem:$0x3F9A];
	s0 =	simm.s32 @p1 $0x1  }
0x15: {  	[smem:$0x3FB7] =	sst s0;
	s0 =	simm.s32 @!p2 $0x0  }
0x16: {  	s3 =	sld [smem:$0x3FDB];
	s0 =	simm.s32 @p2 $0x1  }
0x17: {  	s4 =	simm.s32 $0x1BF5;
	[smem:$0x3FB9] =	sst s0  }
0x18: {  	s0 =	sld [smem:$0x3F9C];
	_ =	swait.ge [sflag:s4], $0x0  }
0x19: {  	s7 =	sld [smem:$0x3F9D]  }
0x1a: {  	s8 =	sadd.s32 $0xFFFFE003, lr  }
0x1b: {  	s9 =	sadd.s32 $0xFFFFFEF7, lr;
	s5 =	simm.s32 $0xFFFFFFFF;
	p2 =	slt.u32 s8, $0xFFFFF086  }
0x1c: {  	p1 =	slt.u32 s9, $0xF7A;
	s5 =	simm.s32 @!p2 $0x0  }
0x1d: {  	s5 =	simm.s32 @p1 $0x1;
	p0 =	seq.s32 s7, s2  }
0x1e: {  	s7 =	smul.u32 @!p0 $0xF7A, s2;
	p2 =	seq.s32 @!p0 s5, $0x0  }
0x1f: {  	s9 =	smul.u32 $0xF7A, s1;
	s8 =	simm.s32 @!p0 $0x1BF5;
	p2 =	por !p2, p0  }
0x20: {  	[sflag:s8] =	ssyncset.s32 @!p0 $0xFFFFF086;
	s6 =	sadd.s32 @!p0 s3, s7;
	s7 =	simm.s32 @!p0 $0x108  }
0x21: {  	s3 =	sadd.s32 s3, s9;
	s6 =	sadd.s32 @!p0 $0x88, s6;
	s7 =	simm.s32 @p2 $0x1082  }
0x22: {  	[simem:s7], [sflag:s8] =	dma.local @!p0 [hbm:s6], $0xF7A  }
0x23: {  	s9 =	sor.u32 $0xD0000000, s2;
	s6 =	simm.s32 $0x108;
	_ =	swait.ge @!p0 [sflag:s8], $0x0  }
0x24: {  	s3 =	sadd.s32 $0x88, s3;
	s6 =	simm.s32 @!p1 $0x1082;
	[sflag:s4] =	ssyncset.s32 $0xFFFFF086  }
0x25: {  	[simem:s6], [sflag:s4] =	dma.local [hbm:s3], $0xF7A  }
0x26: {  	[smem:$0x3F9D] =	sst s1;
	(tag) =	ssettag s2;
	_ =	strace s9  }
0x27: {  	s1 =	sld [smem:$0x3FAD]  }
0x28: {  	s2 =	sld [smem:$0x3FAE]  }
0x29: {  	s4 =	sld [smem:$0x3FB0]  }
0x2a: {  	p0 =	seq.s32 s5, $0x0;
	s5 =	sld [smem:$0x3FB1]  }
0x2b: {  	s6 =	sld [smem:$0x3FB2]  }
0x2c: {  	s7 =	sld [smem:$0x3FB3]  }
0x2d: {  	s3 =	simm.s32 $0x108;
	s8 =	sld [smem:$0x3FB4]  }
0x2e: {  	s3 =	simm.s32 @!p0 $0x1082;
	s9 =	sld [smem:$0x3FB5]  }
0x2f: {  	lr =	sadd.s32 s0, s3;
	s0 =	sld [smem:$0x3FAC]  }
0x30: {  	s3 =	sld [smem:$0x3FAF]  }
0x31: {  	[smem:$0x3FB8] =	sst s10  }
0x32: {  	s10 =	sld [smem:$0x3FB6];
	_ =	sdelay $0x3  }
0x33: {  	p0 =	seq.s32 s10, $0x1;
	s10 =	sld [smem:$0x3FB8];
	_ =	sdelay $0x3  }
0x34: {  	[smem:$0x3FB8] =	sst s10  }
0x35: {  	s10 =	sld [smem:$0x3FB7];
	_ =	sdelay $0x3  }
0x36: {  	p1 =	seq.s32 s10, $0x1;
	s10 =	sld [smem:$0x3FB8];
	_ =	sdelay $0x3  }
0x37: {  	[smem:$0x3FB8] =	sst s10  }
0x38: {  	s10 =	sld [smem:$0x3FB9]  }
0x39: {  	_ = 	snop;
	(pc) =	sbr.ind lr, $3  }
0x3a: {  	_ = 	snop  }
0x3b: {  	_ = 	snop  }
0x3c: {  	p2 =	seq.s32 s10, $0x1;
	s10 =	sld [smem:$0x3FB8]  }
0x3d: {  	_ =	shalt  }
0x3e: {  	_ =	shalt  }
0x3f: {  	_ =	shalt  }
0x40: {  	_ =	shalt  }
0x41: {  	_ =	shalt  }
0x42: {  	_ =	shalt  }
0x43: {  	_ =	shalt  }
0x44: {  	_ =	shalt  }
0x45: {  	_ =	shalt  }
0x46: {  	_ =	shalt  }
0x47: {  	_ =	shalt  }
0x48: {  	_ =	shalt  }
0x49: {  	_ =	shalt  }
0x4a: {  	_ =	shalt  }
0x4b: {  	_ =	shalt  }
0x4c: {  	_ =	shalt  }
0x4d: {  	_ =	shalt  }
0x4e: {  	_ =	shalt  }
0x4f: {  	_ =	shalt  }
0x50: {  	_ =	shalt  }
0x51: {  	_ =	shalt  }
0x52: {  	_ =	shalt  }
0x53: {  	_ =	shalt  }
0x54: {  	_ =	shalt  }
0x55: {  	_ =	shalt  }
0x56: {  	_ =	shalt  }
0x57: {  	_ =	shalt  }
0x58: {  	_ =	shalt  }
0x59: {  	_ =	shalt  }
0x5a: {  	_ =	shalt  }
0x5b: {  	_ =	shalt  }
0x5c: {  	_ =	shalt  }
0x5d: {  	_ =	shalt  }
0x5e: {  	_ =	shalt  }
0x5f: {  	_ =	shalt  }
0x60: {  	_ =	shalt  }
0x61: {  	_ =	shalt  }
0x62: {  	_ =	shalt  }
0x63: {  	_ =	shalt  }
0x64: {  	_ =	shalt  }
0x65: {  	_ =	shalt  }
0x66: {  	_ =	shalt  }
0x67: {  	_ =	shalt  }
0x68: {  	_ =	shalt  }
0x69: {  	_ =	shalt  }
0x6a: {  	_ =	shalt  }
0x6b: {  	_ =	shalt  }
0x6c: {  	_ =	shalt  }
0x6d: {  	_ =	shalt  }
0x6e: {  	_ =	shalt  }
0x6f: {  	_ =	shalt  }
0x70: {  	_ =	shalt  }
0x71: {  	_ =	shalt  }
0x72: {  	_ =	shalt  }
0x73: {  	_ =	shalt  }
0x74: {  	_ =	shalt  }
0x75: {  	_ =	shalt  }
0x76: {  	_ =	shalt  }
0x77: {  	_ =	shalt  }
0x78: {  	_ =	shalt  }
0x79: {  	_ =	shalt  }
0x7a: {  	_ =	shalt  }
0x7b: {  	_ =	shalt  }
0x7c: {  	_ =	shalt  }
0x7d: {  	_ =	shalt  }
0x7e: {  	_ =	shalt  }
0x7f: {  	_ =	shalt  }
0x80: {  	_ =	shalt  }
0x81: {  	_ =	shalt  }
0x82: {  	_ =	shalt  }
0x83: {  	_ =	shalt  }
0x84: {  	_ =	shalt  }
0x85: {  	_ =	shalt  }
0x86: {  	_ =	shalt  }
0x87: {  	_ =	shalt  }
.Lfunc_end0:
.L_simem_size_0:
called_computation_lowered:
.L_overlay_start_0:
0x88: {  	s2 =	sld [smem:$0x3FD9]  }
0x89: {  	s3 =	sld [smem:$0x3FFE];
	_ =	sdelay $0x1  }
0x8a: {  	s1 =	srdreg.scid  }
0x8b: {  	s0 =	sand.u32 $0x1, s1  }
0x8c: {  	s14 =	sshll.u32 s0, $0xA;
	s2 =	sadd.s32 s3, s2  }
0x8d: {  	s2 =	sadd.s32 s2, s14  }
0x8e: {  	[smem:$0x3FC4] =	sst s2  }
0x8f: {  	_ = 	snop  }
0x90: {  	s2 =	sld [smem:$0x3FD0];
	_ =	sdelay $0x2  }
0x91: {  	s15 =	simm.s32 $0xA;
	s4 =	simm.s32 $0x10  }
0x92: {  	[smem:s4], [sflag:s15] =	dma.local [hbm:s2], $0x1  }
0x93: {  	_ =	swait.eq [sflag:s15], $0x1  }
0x94: {  	[sflag:s15] =	ssyncset.done $0x0  }
0x95: {  	[sflag:s15] =	ssyncadd.s32 $0xFFFFFFFF  }
0x96: {  	s16 =	sld [smem:$0x11];
	(tm) =	ssettm $0x1  }
0x97: {  	s17 =	sld [smem:$0x3FFB];
	_ =	sdelay $0x3  }
0x98: {  	_ =	strace s17  }
0x99: {  	s3 =	sld [smem:$0x3FFC];
	_ =	sdelay $0x3  }
0x9a: {  	_ =	strace s3  }
0x9b: {  	s3 =	sld [smem:$0x3FFD];
	_ =	sdelay $0x3  }
0x9c: {  	_ =	strace s3  }
0x9d: {  	_ =	strace $0x8FFFFFFF  }
0x9e: {  	s18 =	sld [smem:$0x3FDB];
	_ =	sdelay $0x1  }
0x9f: {  	s19 =	simm.s32 $_scs_section_size  }
0xa0: {  	s5 =	simm.s32 $_size__tile_overlayer_lowered;
	s6 =	simm.s32 $_tile_overlayer_lowered  }
0xa1: {  	s22 =	simm.s32 $0x1BFF;
	s21 =	sshll.u32 s6, $0x1;
	s3 =	sadd.s32 s19, s18  }
0xa2: {  	s7 =	simm.s32 $0x0;
	s20 =	sshll.u32 s5, $0x1;
	s5 =	sadd.s32 s21, s3  }
0xa3: {  	[timem:s7], [sflag:s22] =	dma.local [hbm:s5], s20  }
0xa4: {  	_ =	swait.ge [sflag:s22], s20  }
0xa5: {  	s4 =	ssub.s32 $0x0, s20;
	[sflag:s22] =	ssyncset.done $0x0  }
0xa6: {  	[sflag:s22] =	ssyncadd.s32 s4;
	_ =	sdelay $0x1  }
0xa7: {  	s23 =	simm.s32 $0x1B8B  }
0xa8: {  	_ =	swait.ge [sflag:s23], $0x1  }
0xa9: {  	[sflag:s23] =	ssyncset.done $0x0  }
0xaa: {  	s25 =	simm.s32 $0x1B8E;
	s24 =	sld [smem:$0x3FFE];
	[sflag:s23] =	ssyncadd.s32 $0xFFFFFFFF  }
0xab: {  	s26 =	simm.s32 $execute0_lowered;
	[smem:$0x3FD2] =	sst s25  }
0xac: {  	s5 =	sshll.u32 s26, $0x1;
	_ =	strace $0x80000046;
	[dreg:$0x1] =	wrdreg $0xFFFFFFFF  }
0xad: {  	s28 =	simm.s32 $_size_execute0_lowered;
	s3 =	sadd.s32 s3, s5;
	[dreg:$0x0] =	wrdreg $0x0  }
0xae: {  	s5 =	sshll.u32 s28, $0x1;
	[dreg:$0x2] =	wrdreg s3  }
0xaf: {  	[dreg:$0x3] =	wrdreg s5  }
0xb0: {  	[dreg:$0x4] =	wrdreg $0xC0  }
0xb1: {  	_ =	task [dreg:s7], $0x5FFFF  }
0xb2: {  	[dreg:$0x1] =	wrdreg $0xFFFFFFFF  }
0xb3: {  	[dreg:$0x0] =	wrdreg $0x60  }
0xb4: {  	[dreg:$0x2] =	wrdreg s24  }
0xb5: {  	[dreg:$0x3] =	wrdreg s16  }
0xb6: {  	[dreg:$0x4] =	wrdreg $0x9  }
0xb7: {  	_ =	task.clear_ibuf [dreg:s7], $0x5FFFF;
	_ =	strace $0x90000046  }
0xb8: {  	s29 =	simm.s32 $0x9;
	_ =	strace $0x80000048  }
0xb9: {  	_ =	swait.ge [sflag:s29], $0x1  }
0xba: {  	[sflag:s29] =	ssyncadd.s32 $0xFFFFFFFF  }
0xbb: {  	_ =	strace $0x90000048  }
0xbc: {  	_ =	sfence  }
0xbd: {  	s30 =	sld [smem:$0x0];
	_ =	sdelay $0x2  }
0xbe: {  	s31 =	sshll.u32 s1, $0xD;
	s1 =	sshrl.u32 s1, $0x2  }
0xbf: {  	s3 =	sand.u32 $0x4000, s31;
	s1 =	sadd.s32 s1, s30  }
0xc0: {  	s0 =	sor.u32 s3, s0;
	s1 =	sshll.u32 s1, $0x11  }
0xc1: {  	s0 =	sor.u32 s1, s0  }
0xc2: {  	s0 =	sadd.s32 $0x8F2B, s0  }
0xc3: {  	[sflag:s0] =	ssyncadd.remote.s32 $0x1  }
0xc4: {  	_ =	sfence.sel $0xFFFF  }
0xc5: {  	[dreg:$0x0] =	wrdreg $0xFFFFFFFF;
	(pc) =	sbr.abs _section_cstart, $3  }
0xc6: {  	[dreg:$0x1] =	wrdreg $0xFFFFFFFF  }
0xc7: {  	_ =	task.clear_ibuf [dreg:s7], $0x2FFFF;
	_ =	strace $0x9FFFFFFF  }
0xc8: {  	(tm) =	ssettm $0x7FFFFFFF  }
0xc9: {  	_ =	shalt  }
tec
execute0_lowered:
.L_overlay_start_1:
0x0: {  	(tag) =	ssettag $0x1  }
0x1: {  	s0 =	srdreg.scid  }
0x2: {  	s1 =	sshll.u32 s0, $0x4  }
0x3: {  	s0 =	stileid.u32;
	s1 =	sand.u32 $0x10, s1  }
0x4: {  	s2 =	sor.u32 s0, s1  }
0x5: {  	s1 =	smul.u32 $0x3, s2  }
0x6: {  	s3 =	smin.u32 s2, $0x4  }
0x7: {  	s1 =	sadd.s32 s3, s1  }
0x8: {  	p0 =	slt.u32 s2, $0x4;
	s2 =	simm.s32 $0x600;
	s1 =	smul.u32 $0x180, s1  }
0x9: {  	s2 =	simm.s32 @!p0 $0x480  }
0xa: {  	s2 =	sadd.s32 s2, s1  }
0xb: {  	s3 =	smin.u32 s2, $0x9600  }
0xc: {  	s7 =	ssub.s32 s3, s1  }
0xd: {  	p0 =	sgt.s32 s7, $0x0  }
0xe: {  	s7 =	simm.s32 @!p0 $0x0  }
0xf: {  	s9 =	rddreg [dreg:$0x0];
	s31 =	smul.u32 $0xAAAB, s7  }
0x10: {  	s4 =	rddreg [dreg:$0x1];
	s6 =	simm.s32 $0x1  }
0x11: {  	s11 =	simm.s32 $0x3;
	s13 =	simm.s32 $0x0;
	s8 =	sshrl.u32 s31, $0x18  }
0x12: {  	s12 =	simm.s32 $0x0;
	s5 =	sadd.s32 $0x1800, s9;
	s10 =	smul.u32 $0x180, s8  }
.Ltmp0:
0x13: {  	s9 =	sadd.s32 $0x1C4000, s9;
	s2 =	rddreg [dreg:$0x2];
	(pc) =	sbr.rel .LBB2_1-.Ltmp0, $4  }
0x14: {  	_ =	strace $0x80000047;
	p0 =	sne.s32 s7, s10;
	s10 =	simm.s32 $0x1  }
0x15: {  	[sflag:s6] =	ssyncpa.u1 $0x0;
	s7 =	simm.s32 $0x2;
	s10 =	simm.s32 @!p0 $0x0  }
0x16: {  	[sflag:s7] =	ssyncpa.u1 $0x0;
	p0 =	por $0x0, $0x0;
	s8 =	sadd.s32 s8, s10  }
0x17: {  	vm0 =	vmmov $0xff;
	vm1 =	vcmask $0x3F20;
	[sflag:s11] =	ssyncpa.u1 $0x0;
	s11 =	smov.u32 s1;
	s10 =	sadd.s32 $0x1, s8  }
.LBB2_6:
0x18: {  	[hbm:s17] =	stream.linear.scatter [tilespmem:s14], [sflag:$0x3], $0x400, $0x38;
	[tilespmem:$0x18300] =	vst v63  }
.LBB2_7:
0x19: {  	s13 =	sadd.s32 $0x180, s11  }
0x1a: {  	s15 =	smov.u32 s1;
	p2 =	slt.s32 s13, s3  }
0x1b: {  	s15 =	smov.u32 @p2 s13;
	p2 =	sne.s32 s12, s10  }
.Ltmp1:
0x1c: {  	p1 =	slt.u32 s12, $0x2;
	(pc) =	sbr.rel @!p2 .LBB2_8-.Ltmp1, $4  }
0x1d: {  	s14 =	simm.s32 @!p1 $0x3  }
0x1e: {  	s16 =	sadd.s32 $0x1, s12;
	_ =	swait.ge @!p1 [sflag:s14], $0xC000  }
0x1f: {  	p0 =	por !p0, !p0;
	s13 =	smov.u32 s11;
	[sflag:s14] =	ssyncset.done @!p1 $0x0  }
0x20: {  	s12 =	smov.u32 s16;
	s11 =	smov.u32 s15;
	[sflag:s14] =	ssyncadd.s32 @!p1 $0xFFFF4000  }
.LBB2_1:
0x21: {  	p1 =	sge.u32 s12, s8  }
0x22: {  	s14 =	sxor.u32 @!p1 $0xFFFFFFFF, s12  }
0x23: {  	s14 =	sand.u32 @!p1 $0x1, s14  }
0x24: {  	s14 =	smul.u32 @!p1 $0x600, s14  }
0x25: {  	s31 =	sadd.s32 $0xFFFFFFFF, s12;
	s15 =	sshrl.u32 @!p1 s11, $0x3  }
0x26: {  	s16 =	sand.u32 @!p1 $0x7, s11;
	s15 =	sadd.s32 @!p1 s4, s15;
	s14 =	sshrl.u32 @!p1 s14, $0x2  }
0x27: {  	[tilespmem:s14], [sflag:$0x2] =	stream.linear.gather @!p1 [hbm4b:s15+s16], $0x180, $0x38;
	[tilespmem:$0x18300] =	vst v63  }
0x28: {  	p1 =	sge.u32 s31, s8  }
.Ltmp2:
0x29: {  	_ = 	snop;
	(pc) =	sbr.rel @p1 .LBB2_7-.Ltmp2, $1  }
0x2a: {  	_ =	sdelay $0x3  }
0x2b: {  	s14 =	simm.s32 $0x1  }
0x2c: {  	s14 =	simm.s32 @!p0 $0x0  }
0x2d: {  	s15 =	smul.u32 $0x600, s14  }
0x2e: {  	_ =	swait.ge [sflag:s7], $0x180  }
0x2f: {  	[sflag:s7] =	ssyncset.done $0x0;
	s16 =	sshrl.u32 s15, $0x2  }
0x30: {  	[sflag:s7] =	ssyncadd.s32 $0xFFFFFE80;
	s15 =	sadd.s32 $0x0, s16  }
0x31: {  	v0 =	vld.msk [tilespmem:s15+$0x0 ss:$0x1], $0xffff;
	_ =	sdelay $0x4  }
0x32: {  	v1 =	vshll.u32 v0, $0x7  }
0x33: {  	vm2 =	veq.s32 v0, $0x80000000;
	v0 =	vand.u32 $0x3F80, v1  }
0x34: {  	v1 =	vand.u32 $0xFFC000, v1;
	v0 =	vsel vm2, $0xFFFFFF80, v0  }
0x35: {  	v1 =	vsel vm2, $0xFFFFC000, v1;
	v2 =	vand.u32 $0xFFFFFC00, v0  }
0x36: {  	v0 =	vand.u32 $0x380, v0;
	v1 =	vadd.s32 v1, v2  }
0x37: {  	v0 =	vor.u32 v0, v1  }
0x38: {  	v0 =	vshrl.u32 v0, $0x3  }
0x39: {  	s14 =	smul.u32 $0x30000, s14;
	_ =	sdelay $0x1  }
0x3a: {  	s14 =	sshrl.u32 s14, $0x2  }
0x3b: {  	s14 =	sor.u32 $0x300, s14  }
0x3c: {  	[tilespmem:s14], [sflag:$0x1] =	stream.indirect_vreg.gather [hbm:s5], $0x80, v0, vm0, $0x38;
	[tilespmem:$0x18300] =	vst v63  }
0x3d: {  	s17 =	sadd.s32 $0x10, s16;
	s15 =	sadd.s32 $0x400, s14  }
0x3e: {  	[tilespmem:s15], [sflag:$0x1] =	stream.indirect_vreg.gather [hbm:s5], $0x80, v0, vm1, $0x38;
	[tilespmem:$0x18300] =	vst v63  }
0x3f: {  	s18 =	simm.s32 $0x80;
	v0 =	vld.msk [tilespmem:s17+$0x0 ss:$0x1], $0xffff;
	s17 =	smov.u32 s14  }
.LBB2_3:
0x40: {  	p1 =	sne.s32 s18, $0x5C0;
	_ =	sdelay $0x4  }
0x41: {  	v1 =	vshll.u32 v0, $0x7  }
0x42: {  	vm2 =	veq.s32 v0, $0x80000000;
	v0 =	vand.u32 $0x3F80, v1  }
0x43: {  	v1 =	vand.u32 $0xFFC000, v1;
	v0 =	vsel vm2, $0xFFFFFF80, v0  }
0x44: {  	v1 =	vsel vm2, $0xFFFFC000, v1;
	v2 =	vand.u32 $0xFFFFFC00, v0  }
0x45: {  	v0 =	vand.u32 $0x380, v0;
	v1 =	vadd.s32 v1, v2  }
0x46: {  	v0 =	vor.u32 v0, v1  }
0x47: {  	v0 =	vshrl.u32 v0, $0x3;
	_ =	sdelay $0x3  }
.Ltmp3:
0x48: {  	s19 =	sshra.s32 s18, $0x2;
	s17 =	sadd.s32 $0x800, s17;
	(pc) =	sbr.rel @p1 .LBB2_3-.Ltmp3, $4  }
0x49: {  	[tilespmem:s17], [sflag:$0x1] =	stream.indirect_vreg.gather [hbm:s5], $0x80, v0, vm0, $0x38;
	[tilespmem:$0x18300] =	vst v63  }
0x4a: {  	s19 =	sadd.s32 s19, s16;
	s20 =	sadd.s32 $0x400, s17  }
0x4b: {  	[tilespmem:s20], [sflag:$0x1] =	stream.indirect_vreg.gather [hbm:s5], $0x80, v0, vm1, $0x38;
	[tilespmem:$0x18300] =	vst v63  }
0x4c: {  	s18 =	sadd.s32 $0x40, s18;
	v0 =	vld.msk [tilespmem:s19+$0x0 ss:$0x1], $0xffff  }
0x4d: {  	_ =	sdelay $0x3  }
0x4e: {  	v1 =	vshll.u32 v0, $0x7  }
0x4f: {  	vm2 =	veq.s32 v0, $0x80000000;
	v63 =	vand.u32 $0x3F80, v1  }
0x50: {  	v1 =	vand.u32 $0xFFC000, v1;
	v0 =	vsel vm2, $0xFFFFFF80, v63  }
0x51: {  	v1 =	vsel vm2, $0xFFFFC000, v1;
	v2 =	vand.u32 $0xFFFFFC00, v0  }
0x52: {  	v0 =	vand.u32 $0x380, v0;
	v1 =	vadd.s32 v1, v2  }
0x53: {  	v0 =	vor.u32 v0, v1  }
0x54: {  	v0 =	vshrl.u32 v0, $0x3;
	_ =	sdelay $0x3  }
0x55: {  	s16 =	sadd.s32 $0x800, s17  }
0x56: {  	[tilespmem:s16], [sflag:$0x1] =	stream.indirect_vreg.gather [hbm:s5], $0x80, v0, vm0, $0x38;
	[tilespmem:$0x18300] =	vst v63  }
0x57: {  	s16 =	sadd.s32 $0x400, s16  }
0x58: {  	[tilespmem:s16], [sflag:$0x1] =	stream.indirect_vreg.gather [hbm:s5], $0x80, v0, vm1, $0x38;
	[tilespmem:$0x18300] =	vst v63  }
0x59: {  	s13 =	sshll.u32 s13, $0x4;
	_ =	swait.ge [sflag:s6], $0xC000  }
0x5a: {  	s13 =	sadd.s32 s13, s9;
	[sflag:s6] =	ssyncset.done $0x0  }
0x5b: {  	s17 =	sadd.s32 $0x0, s13;
	s16 =	simm.s32 $0x80;
	[sflag:s6] =	ssyncadd.s32 $0xFFFF4000  }
.LBB2_5:
0x5c: {  	[hbm:s17] =	stream.linear.scatter [tilespmem:s14], [sflag:$0x3], $0x400, $0x38;
	[tilespmem:$0x18300] =	vst v63  }
0x5d: {  	s17 =	smov.u32 s16;
	s14 =	smov.u32 s15;
	p1 =	sne.s32 s16, $0x1780  }
.Ltmp4:
0x5e: {  	s16 =	sadd.s32 $0x80, s16;
	(pc) =	sbr.rel @p1 .LBB2_5-.Ltmp4, $2  }
0x5f: {  	_ =	sdelay $0x2  }
0x60: {  	s15 =	sadd.s32 $0x400, s15;
	s17 =	sadd.s32 s17, s13  }
.Ltmp5:
0x61: {  	_ = 	snop;
	(pc) =	sbr.rel .LBB2_6-.Ltmp5, $1  }
0x62: {  	_ =	sdelay $0x3  }
.LBB2_8:
0x63: {  	_ =	sfence.sel $0x180000  }
0x64: {  	s1 =	simm.s32 $0x2;
	[bflag:$0x0] =	sbarrier.arrive $0xFFFF  }
0x65: {  	s30 =	simm.s32 $0x3;
	[sflag:s1] =	ssyncpa.u1 $0x1  }
0x66: {  	s31 =	simm.s32 $0x1;
	[sflag:s30] =	ssyncpa.u1 $0x1  }
0x67: {  	[sflag:s31] =	ssyncpa.u1 $0x1  }
0x68: {  	p0 =	sne.s32 s0, $0x0;
	_ =	strace $0x90000047  }
0x69: {  	s0 =	sadd.s32 @!p0 $0x100000, s2;
	[bflag:$0x2] =	sbarrier.arrive $0xFFFF  }
0x6a: {  	[sflag:s0] =	ssyncadd.tile.s32 @!p0 $0x1;
	_ =	shalt  }
.Lfunc_end2:
_tile_overlayer_lowered:
.L_overlay_start_2:
0x6b: {  	(tag) =	ssettag $0x2  }
0x6c: {  	s0 =	rddreg [dreg:$0x0];
	s2 =	stileid.u32  }
0x6d: {  	s1 =	rddreg [dreg:$0x1];
	p0 =	sne.s32 s2, $0x0  }
0x6e: {  	s3 =	rddreg [dreg:$0x2];
	[bflag:$0x3] =	sbarrier.arrive $0xFFFF;
	s2 =	simm.s32 @!p0 $0x1C01  }
0x6f: {  	[timem:s3], [sflag:s2] =	dma.local @!p0 [hbm:s0], s1  }
0x70: {  	s0 =	simm.s32 @!p0 $0x1  }
0x71: {  	_ =	swait.ge @!p0 [sflag:s0], s1  }
0x72: {  	s1 =	ssub.s32 @!p0 $0x0, s1;
	[sflag:s0] =	ssyncset.done @!p0 $0x0  }
0x73: {  	[sflag:s0] =	ssyncadd.s32 @!p0 s1  }
0x74: {  	[bflag:$0x3] =	sbarrier.arrive $0xFFFF  }
0x75: {  	_ =	shalt  }

</sc_bundles>
